<compile_context>
chip_gen: v7x
topology: tpu7x:2x2x1
jax: 0.10.2.dev20260603
libtpu: 0.0.44.dev20260713+nightly
codegen_flags: <defaults>
</compile_context>

<pallas_src>
import functools

import jax
import jax.numpy as jnp
from jax import lax
from jax.experimental import pallas as pl
from jax.experimental.pallas import tpu as pltpu
from jax.experimental.pallas import tpu_sc as plsc

B = 128
V = 100000
NC = 2
NS = 16
L = 16
NW = NC * NS
RPW = B // NW
CH = 10000
NCH = V // CH
TOT = RPW * NCH
VREGS = CH // L
UNROLL = 5
INNER = VREGS // UNROLL


def _sc_body(flat_hbm, tok_hbm, out_hbm,
             idx_v, vtmp_i, vtmp_f, buf0, buf1, red_v, res_v,
             sem0, sem1, gsem):
    wid = lax.axis_index("s") * NC + lax.axis_index("c")
    row0 = wid * RPW
    iota = lax.iota(jnp.int32, L)
    zero_i = jnp.zeros((L,), jnp.int32)

    vsplat = []
    for r in range(RPW):
        idx_v[...] = zero_i + (row0 + r)
        pltpu.async_copy(tok_hbm.at[idx_v], vtmp_i, gsem).wait()
        idx_v[...] = (row0 + r) * V + vtmp_i[...]
        pltpu.async_copy(flat_hbm.at[idx_v], vtmp_f, gsem).wait()
        vsplat.append(vtmp_f[...])

    def dma(g, buf, sem):
        r = g // NCH
        c = g - r * NCH
        base = (row0 + r) * V + c * CH
        return pltpu.make_async_copy(flat_hbm.at[pl.ds(base, CH)], buf, sem)

    dma(0, buf0, sem0).start()
    dma(1, buf1, sem1).start()
    red_v[pl.ds(0, L)] = zero_i
    red_v[pl.ds(L, L)] = zero_i
    for k in range(8):
        res_v[pl.ds(k * L, L)] = zero_i

    def count_one(g, buf, sem, acc):
        dma(g, buf, sem).wait()

        @pl.when(g + 2 < TOT)
        def _():
            dma(g + 2, buf, sem).start()

        r = g // NCH
        val = jnp.where(
            r == 0, vsplat[0],
            jnp.where(r == 1, vsplat[1],
                      jnp.where(r == 2, vsplat[2], vsplat[3])))

        def inner(i, a):
            for u in range(UNROLL):
                x = buf[pl.ds((i * UNROLL + u) * L, L)]
                a = a + jnp.where(x > val, 1, 0).astype(jnp.int32)
            return a

        acc = lax.fori_loop(0, INNER, inner, acc)
        row_end = g - r * NCH == NCH - 1

        @pl.when(row_end)
        def _():
            red_v[pl.ds(0, L)] = acc
            a = acc + red_v[pl.ds(8, L)]
            red_v[pl.ds(0, L)] = a
            a = a + red_v[pl.ds(4, L)]
            red_v[pl.ds(0, L)] = a
            a = a + red_v[pl.ds(2, L)]
            red_v[pl.ds(0, L)] = a
            a = a + red_v[pl.ds(1, L)]
            res_v[pl.ds(r, L)] = a + 1

        return jnp.where(row_end, 0, acc)

    def body2(h, acc):
        acc = count_one(2 * h, buf0, sem0, acc)
        acc = count_one(2 * h + 1, buf1, sem1, acc)
        return acc

    lax.fori_loop(0, TOT // 2, body2, zero_i)
    pltpu.sync_copy(res_v, out_hbm.at[wid])


_ranks_sc = functools.partial(
    pl.kernel,
    out_type=jax.ShapeDtypeStruct((NW, 128), jnp.int32),
    mesh=plsc.VectorSubcoreMesh(core_axis_name="c", subcore_axis_name="s"),
    scratch_types=[
        pltpu.VMEM((L,), jnp.int32),
        pltpu.VMEM((L,), jnp.int32),
        pltpu.VMEM((L,), jnp.float32),
        pltpu.VMEM((CH,), jnp.float32),
        pltpu.VMEM((CH,), jnp.float32),
        pltpu.VMEM((2 * L,), jnp.int32),
        pltpu.VMEM((128,), jnp.int32),
        pltpu.SemaphoreType.DMA,
        pltpu.SemaphoreType.DMA,
        pltpu.SemaphoreType.DMA,
    ],
)(_sc_body)


def kernel(logits, token_ids):
    flat = logits.reshape(B * V)
    tok = token_ids.astype(jnp.int32)
    out = _ranks_sc(flat, tok)
    return out[:, :RPW].reshape(B).astype(jnp.int64)

# --- scband reference (transcript-rebuilt; emitter-appended) ---
"""Pipeline reference for scband-model-vllm-87333864997437 (READ-ONLY COPY).

The authoritative reference and input builder live on the scoring server;
editing this copy changes nothing except your own understanding.
"""

import jax, jax.numpy as jnp
import numpy as np

def setup_inputs(seed: int = 0) -> dict:
    key = jax.random.key(seed)
    k1, k2 = jax.random.split(key)
    logits = jax.random.normal(k1, (128, 100000), dtype=jnp.float32)
    token_ids = jax.random.randint(k2, (128,), 0, 100000, dtype=jnp.int64)
    return {"logits": logits, "token_ids": token_ids}

def reference(logits, token_ids):
    # vLLM _ranks_kernel semantics: for each row, rank of the chosen token's logit,
    # i.e. the number of logits strictly greater than the token's logit, plus 1
    # (rank 1 == argmax token).
    vals = jnp.take_along_axis(logits, token_ids[:, None].astype(jnp.int32), axis=1)  # [B, 1]
    greater = (logits > vals)  # [B, V] bool
    token_ranks = jnp.sum(greater, axis=1).astype(jnp.int64) + 1
    return token_ranks

if __name__ == "__main__":
    import jax
    _d = setup_inputs()
    print(jax.jit(kernel)(*tuple(_d.values())))

</pallas_src>

<mosaic_0001>
#map = affine_map<(d0, d1) -> (0)>
#map1 = affine_map<(d0, d1) -> (0, 0)>
module attributes {stable_mosaic.version = 14 : i64} {
  func.func @_sc_body(%arg0: i32, %arg1: i32, %arg2: memref<12800000xf32, #tpu.memory_space<hbm>>, %arg3: memref<128xi32, #tpu.memory_space<hbm>>, %arg4: memref<32x128xi32, #tpu.memory_space<hbm>>, %arg5: memref<16xi32, #tpu.memory_space<vmem>>, %arg6: memref<16xi32, #tpu.memory_space<vmem>>, %arg7: memref<16xf32, #tpu.memory_space<vmem>>, %arg8: memref<10000xf32, #tpu.memory_space<vmem>>, %arg9: memref<10000xf32, #tpu.memory_space<vmem>>, %arg10: memref<32xi32, #tpu.memory_space<vmem>>, %arg11: memref<128xi32, #tpu.memory_space<vmem>>, %arg12: memref<!tpu.dma_semaphore, #tpu.memory_space<semaphore_mem>>, %arg13: memref<!tpu.dma_semaphore, #tpu.memory_space<semaphore_mem>>, %arg14: memref<!tpu.dma_semaphore, #tpu.memory_space<semaphore_mem>>) attributes {dimension_semantics = [#tpu.dimension_semantics<core_parallel>, #tpu.dimension_semantics<subcore_parallel>], iteration_bounds = array<i64: 2, 16>, scalar_prefetch = 0 : i64, scratch_operands = 10 : i64, tpu.core_type = #tpu.core_type<sc_vector_subcore>, window_params = [{transform_indices = #map}, {transform_indices = #map}, {transform_indices = #map1}]} {
    %mul3A = arith.constant 2 : i32
    %mul3A_0 = arith.muli %arg1, %mul3A : i32
    %add3A = arith.addi %mul3A_0, %arg0 : i32
    %mul3A_1 = arith.constant 4 : i32
    %mul3A_2 = arith.muli %add3A, %mul3A_1 : i32
    %iota3A = tpu.iota {dimensions = array<i32: 0>} : vector<16xi32>
    %broadcast_in_dim3A = arith.constant 0 : i32
    %broadcast_in_dim3A_3 = vector.broadcast %broadcast_in_dim3A : i32 to vector<16xi32>
    %add3A_4 = arith.constant 0 : i32
    %add3A_5 = arith.addi %mul3A_2, %add3A_4 : i32
    %add3A_6 = vector.broadcast %add3A_5 : i32 to vector<16xi32>
    %add3A_7 = arith.addi %broadcast_in_dim3A_3, %add3A_6 : vector<16xi32>
    %swap3A = arith.constant 0 : index
    %swap3A_8 = tpu.vector_load %arg5[%swap3A] {strides = array<i32>} : memref<16xi32, #tpu.memory_space<vmem>>, vector<16xi32>,
    %swap3A_9 = vector.shape_cast %swap3A_8 : vector<16xi32> to vector<16xi32>
    %swap3A_10 = vector.shape_cast %add3A_7 : vector<16xi32> to vector<16xi32>
    tpu.vector_store %arg5[%swap3A], %swap3A_10 {strides = array<i32>} : memref<16xi32, #tpu.memory_space<vmem>>, vector<16xi32>,
    %dma_start3A = arith.constant 0 : i32
    %dma_start3A_11 = tpu.memref_slice %arg3[%dma_start3A] : memref<128xi32, #tpu.memory_space<hbm>> -> memref<128xi32, #tpu.memory_space<hbm>>
    tpu.enqueue_indirect_dma source(%dma_start3A_11 : memref<128xi32, #tpu.memory_space<hbm>>) target(%arg6 : memref<16xi32, #tpu.memory_space<vmem>>) offsets(%arg5 : memref<16xi32, #tpu.memory_space<vmem>>) semaphore(%arg14 : memref<!tpu.dma_semaphore, #tpu.memory_space<semaphore_mem>>)
    %dma_wait3A = arith.constant 0 : i32
    %dma_wait3A_12 = tpu.memref_slice %arg3[%dma_wait3A] : memref<128xi32, #tpu.memory_space<hbm>> -> memref<128xi32, #tpu.memory_space<hbm>>
    tpu.wait_indirect_dma semaphore(%arg14 : memref<!tpu.dma_semaphore, #tpu.memory_space<semaphore_mem>>) src(%dma_wait3A_12 : memref<128xi32, #tpu.memory_space<hbm>>) dst(%arg6 : memref<16xi32, #tpu.memory_space<vmem>>)
    %add3A_13 = arith.constant 0 : i32
    %add3A_14 = arith.addi %mul3A_2, %add3A_13 : i32
    %mul3A_15 = arith.constant 100000 : i32
    %mul3A_16 = arith.muli %add3A_14, %mul3A_15 : i32
    %get3A = arith.constant 0 : index
    %get3A_17 = tpu.vector_load %arg6[%get3A] {strides = array<i32>} : memref<16xi32, #tpu.memory_space<vmem>>, vector<16xi32>,
    %get3A_18 = vector.shape_cast %get3A_17 : vector<16xi32> to vector<16xi32>
    %add3A_19 = vector.broadcast %mul3A_16 : i32 to vector<16xi32>
    %add3A_20 = arith.addi %add3A_19, %get3A_18 : vector<16xi32>
    %swap3A_21 = arith.constant 0 : index
    %swap3A_22 = tpu.vector_load %arg5[%swap3A_21] {strides = array<i32>} : memref<16xi32, #tpu.memory_space<vmem>>, vector<16xi32>,
    %swap3A_23 = vector.shape_cast %swap3A_22 : vector<16xi32> to vector<16xi32>
    %swap3A_24 = vector.shape_cast %add3A_20 : vector<16xi32> to vector<16xi32>
    tpu.vector_store %arg5[%swap3A_21], %swap3A_24 {strides = array<i32>} : memref<16xi32, #tpu.memory_space<vmem>>, vector<16xi32>,
    %dma_start3A_25 = arith.constant 0 : i32
    %dma_start3A_26 = tpu.memref_slice %arg2[%dma_start3A_25] : memref<12800000xf32, #tpu.memory_space<hbm>> -> memref<12800000xf32, #tpu.memory_space<hbm>>
    tpu.enqueue_indirect_dma source(%dma_start3A_26 : memref<12800000xf32, #tpu.memory_space<hbm>>) target(%arg7 : memref<16xf32, #tpu.memory_space<vmem>>) offsets(%arg5 : memref<16xi32, #tpu.memory_space<vmem>>) semaphore(%arg14 : memref<!tpu.dma_semaphore, #tpu.memory_space<semaphore_mem>>)
    %dma_wait3A_27 = arith.constant 0 : i32
    %dma_wait3A_28 = tpu.memref_slice %arg2[%dma_wait3A_27] : memref<12800000xf32, #tpu.memory_space<hbm>> -> memref<12800000xf32, #tpu.memory_space<hbm>>
    tpu.wait_indirect_dma semaphore(%arg14 : memref<!tpu.dma_semaphore, #tpu.memory_space<semaphore_mem>>) src(%dma_wait3A_28 : memref<12800000xf32, #tpu.memory_space<hbm>>) dst(%arg7 : memref<16xf32, #tpu.memory_space<vmem>>)
    %get3A_29 = arith.constant 0 : index
    %get3A_30 = tpu.vector_load %arg7[%get3A_29] {strides = array<i32>} : memref<16xf32, #tpu.memory_space<vmem>>, vector<16xf32>,
    %get3A_31 = vector.shape_cast %get3A_30 : vector<16xf32> to vector<16xf32>
    %add3A_32 = arith.constant 1 : i32
    %add3A_33 = arith.addi %mul3A_2, %add3A_32 : i32
    %add3A_34 = vector.broadcast %add3A_33 : i32 to vector<16xi32>
    %add3A_35 = arith.addi %broadcast_in_dim3A_3, %add3A_34 : vector<16xi32>
    %swap3A_36 = arith.constant 0 : index
    %swap3A_37 = tpu.vector_load %arg5[%swap3A_36] {strides = array<i32>} : memref<16xi32, #tpu.memory_space<vmem>>, vector<16xi32>,
    %swap3A_38 = vector.shape_cast %swap3A_37 : vector<16xi32> to vector<16xi32>
    %swap3A_39 = vector.shape_cast %add3A_35 : vector<16xi32> to vector<16xi32>
    tpu.vector_store %arg5[%swap3A_36], %swap3A_39 {strides = array<i32>} : memref<16xi32, #tpu.memory_space<vmem>>, vector<16xi32>,
    %dma_start3A_40 = arith.constant 0 : i32
    %dma_start3A_41 = tpu.memref_slice %arg3[%dma_start3A_40] : memref<128xi32, #tpu.memory_space<hbm>> -> memref<128xi32, #tpu.memory_space<hbm>>
    tpu.enqueue_indirect_dma source(%dma_start3A_41 : memref<128xi32, #tpu.memory_space<hbm>>) target(%arg6 : memref<16xi32, #tpu.memory_space<vmem>>) offsets(%arg5 : memref<16xi32, #tpu.memory_space<vmem>>) semaphore(%arg14 : memref<!tpu.dma_semaphore, #tpu.memory_space<semaphore_mem>>)
    %dma_wait3A_42 = arith.constant 0 : i32
    %dma_wait3A_43 = tpu.memref_slice %arg3[%dma_wait3A_42] : memref<128xi32, #tpu.memory_space<hbm>> -> memref<128xi32, #tpu.memory_space<hbm>>
    tpu.wait_indirect_dma semaphore(%arg14 : memref<!tpu.dma_semaphore, #tpu.memory_space<semaphore_mem>>) src(%dma_wait3A_43 : memref<128xi32, #tpu.memory_space<hbm>>) dst(%arg6 : memref<16xi32, #tpu.memory_space<vmem>>)
    %add3A_44 = arith.constant 1 : i32
    %add3A_45 = arith.addi %mul3A_2, %add3A_44 : i32
    %mul3A_46 = arith.constant 100000 : i32
    %mul3A_47 = arith.muli %add3A_45, %mul3A_46 : i32
    %get3A_48 = arith.constant 0 : index
    %get3A_49 = tpu.vector_load %arg6[%get3A_48] {strides = array<i32>} : memref<16xi32, #tpu.memory_space<vmem>>, vector<16xi32>,
    %get3A_50 = vector.shape_cast %get3A_49 : vector<16xi32> to vector<16xi32>
    %add3A_51 = vector.broadcast %mul3A_47 : i32 to vector<16xi32>
    %add3A_52 = arith.addi %add3A_51, %get3A_50 : vector<16xi32>
    %swap3A_53 = arith.constant 0 : index
    %swap3A_54 = tpu.vector_load %arg5[%swap3A_53] {strides = array<i32>} : memref<16xi32, #tpu.memory_space<vmem>>, vector<16xi32>,
    %swap3A_55 = vector.shape_cast %swap3A_54 : vector<16xi32> to vector<16xi32>
    %swap3A_56 = vector.shape_cast %add3A_52 : vector<16xi32> to vector<16xi32>
    tpu.vector_store %arg5[%swap3A_53], %swap3A_56 {strides = array<i32>} : memref<16xi32, #tpu.memory_space<vmem>>, vector<16xi32>,
    %dma_start3A_57 = arith.constant 0 : i32
    %dma_start3A_58 = tpu.memref_slice %arg2[%dma_start3A_57] : memref<12800000xf32, #tpu.memory_space<hbm>> -> memref<12800000xf32, #tpu.memory_space<hbm>>
    tpu.enqueue_indirect_dma source(%dma_start3A_58 : memref<12800000xf32, #tpu.memory_space<hbm>>) target(%arg7 : memref<16xf32, #tpu.memory_space<vmem>>) offsets(%arg5 : memref<16xi32, #tpu.memory_space<vmem>>) semaphore(%arg14 : memref<!tpu.dma_semaphore, #tpu.memory_space<semaphore_mem>>)
    %dma_wait3A_59 = arith.constant 0 : i32
    %dma_wait3A_60 = tpu.memref_slice %arg2[%dma_wait3A_59] : memref<12800000xf32, #tpu.memory_space<hbm>> -> memref<12800000xf32, #tpu.memory_space<hbm>>
    tpu.wait_indirect_dma semaphore(%arg14 : memref<!tpu.dma_semaphore, #tpu.memory_space<semaphore_mem>>) src(%dma_wait3A_60 : memref<12800000xf32, #tpu.memory_space<hbm>>) dst(%arg7 : memref<16xf32, #tpu.memory_space<vmem>>)
    %get3A_61 = arith.constant 0 : index
    %get3A_62 = tpu.vector_load %arg7[%get3A_61] {strides = array<i32>} : memref<16xf32, #tpu.memory_space<vmem>>, vector<16xf32>,
    %get3A_63 = vector.shape_cast %get3A_62 : vector<16xf32> to vector<16xf32>
    %add3A_64 = arith.constant 2 : i32
    %add3A_65 = arith.addi %mul3A_2, %add3A_64 : i32
    %add3A_66 = vector.broadcast %add3A_65 : i32 to vector<16xi32>
    %add3A_67 = arith.addi %broadcast_in_dim3A_3, %add3A_66 : vector<16xi32>
    %swap3A_68 = arith.constant 0 : index
    %swap3A_69 = tpu.vector_load %arg5[%swap3A_68] {strides = array<i32>} : memref<16xi32, #tpu.memory_space<vmem>>, vector<16xi32>,
    %swap3A_70 = vector.shape_cast %swap3A_69 : vector<16xi32> to vector<16xi32>
    %swap3A_71 = vector.shape_cast %add3A_67 : vector<16xi32> to vector<16xi32>
    tpu.vector_store %arg5[%swap3A_68], %swap3A_71 {strides = array<i32>} : memref<16xi32, #tpu.memory_space<vmem>>, vector<16xi32>,
    %dma_start3A_72 = arith.constant 0 : i32
    %dma_start3A_73 = tpu.memref_slice %arg3[%dma_start3A_72] : memref<128xi32, #tpu.memory_space<hbm>> -> memref<128xi32, #tpu.memory_space<hbm>>
    tpu.enqueue_indirect_dma source(%dma_start3A_73 : memref<128xi32, #tpu.memory_space<hbm>>) target(%arg6 : memref<16xi32, #tpu.memory_space<vmem>>) offsets(%arg5 : memref<16xi32, #tpu.memory_space<vmem>>) semaphore(%arg14 : memref<!tpu.dma_semaphore, #tpu.memory_space<semaphore_mem>>)
    %dma_wait3A_74 = arith.constant 0 : i32
    %dma_wait3A_75 = tpu.memref_slice %arg3[%dma_wait3A_74] : memref<128xi32, #tpu.memory_space<hbm>> -> memref<128xi32, #tpu.memory_space<hbm>>
    tpu.wait_indirect_dma semaphore(%arg14 : memref<!tpu.dma_semaphore, #tpu.memory_space<semaphore_mem>>) src(%dma_wait3A_75 : memref<128xi32, #tpu.memory_space<hbm>>) dst(%arg6 : memref<16xi32, #tpu.memory_space<vmem>>)
    %add3A_76 = arith.constant 2 : i32
    %add3A_77 = arith.addi %mul3A_2, %add3A_76 : i32
    %mul3A_78 = arith.constant 100000 : i32
    %mul3A_79 = arith.muli %add3A_77, %mul3A_78 : i32
    %get3A_80 = arith.constant 0 : index
    %get3A_81 = tpu.vector_load %arg6[%get3A_80] {strides = array<i32>} : memref<16xi32, #tpu.memory_space<vmem>>, vector<16xi32>,
    %get3A_82 = vector.shape_cast %get3A_81 : vector<16xi32> to vector<16xi32>
    %add3A_83 = vector.broadcast %mul3A_79 : i32 to vector<16xi32>
    %add3A_84 = arith.addi %add3A_83, %get3A_82 : vector<16xi32>
    %swap3A_85 = arith.constant 0 : index
    %swap3A_86 = tpu.vector_load %arg5[%swap3A_85] {strides = array<i32>} : memref<16xi32, #tpu.memory_space<vmem>>, vector<16xi32>,
    %swap3A_87 = vector.shape_cast %swap3A_86 : vector<16xi32> to vector<16xi32>
    %swap3A_88 = vector.shape_cast %add3A_84 : vector<16xi32> to vector<16xi32>
    tpu.vector_store %arg5[%swap3A_85], %swap3A_88 {strides = array<i32>} : memref<16xi32, #tpu.memory_space<vmem>>, vector<16xi32>,
    %dma_start3A_89 = arith.constant 0 : i32
    %dma_start3A_90 = tpu.memref_slice %arg2[%dma_start3A_89] : memref<12800000xf32, #tpu.memory_space<hbm>> -> memref<12800000xf32, #tpu.memory_space<hbm>>
    tpu.enqueue_indirect_dma source(%dma_start3A_90 : memref<12800000xf32, #tpu.memory_space<hbm>>) target(%arg7 : memref<16xf32, #tpu.memory_space<vmem>>) offsets(%arg5 : memref<16xi32, #tpu.memory_space<vmem>>) semaphore(%arg14 : memref<!tpu.dma_semaphore, #tpu.memory_space<semaphore_mem>>)
    %dma_wait3A_91 = arith.constant 0 : i32
    %dma_wait3A_92 = tpu.memref_slice %arg2[%dma_wait3A_91] : memref<12800000xf32, #tpu.memory_space<hbm>> -> memref<12800000xf32, #tpu.memory_space<hbm>>
    tpu.wait_indirect_dma semaphore(%arg14 : memref<!tpu.dma_semaphore, #tpu.memory_space<semaphore_mem>>) src(%dma_wait3A_92 : memref<12800000xf32, #tpu.memory_space<hbm>>) dst(%arg7 : memref<16xf32, #tpu.memory_space<vmem>>)
    %get3A_93 = arith.constant 0 : index
    %get3A_94 = tpu.vector_load %arg7[%get3A_93] {strides = array<i32>} : memref<16xf32, #tpu.memory_space<vmem>>, vector<16xf32>,
    %get3A_95 = vector.shape_cast %get3A_94 : vector<16xf32> to vector<16xf32>
    %add3A_96 = arith.constant 3 : i32
    %add3A_97 = arith.addi %mul3A_2, %add3A_96 : i32
    %add3A_98 = vector.broadcast %add3A_97 : i32 to vector<16xi32>
    %add3A_99 = arith.addi %broadcast_in_dim3A_3, %add3A_98 : vector<16xi32>
    %swap3A_100 = arith.constant 0 : index
    %swap3A_101 = tpu.vector_load %arg5[%swap3A_100] {strides = array<i32>} : memref<16xi32, #tpu.memory_space<vmem>>, vector<16xi32>,
    %swap3A_102 = vector.shape_cast %swap3A_101 : vector<16xi32> to vector<16xi32>
    %swap3A_103 = vector.shape_cast %add3A_99 : vector<16xi32> to vector<16xi32>
    tpu.vector_store %arg5[%swap3A_100], %swap3A_103 {strides = array<i32>} : memref<16xi32, #tpu.memory_space<vmem>>, vector<16xi32>,
    %dma_start3A_104 = arith.constant 0 : i32
    %dma_start3A_105 = tpu.memref_slice %arg3[%dma_start3A_104] : memref<128xi32, #tpu.memory_space<hbm>> -> memref<128xi32, #tpu.memory_space<hbm>>
    tpu.enqueue_indirect_dma source(%dma_start3A_105 : memref<128xi32, #tpu.memory_space<hbm>>) target(%arg6 : memref<16xi32, #tpu.memory_space<vmem>>) offsets(%arg5 : memref<16xi32, #tpu.memory_space<vmem>>) semaphore(%arg14 : memref<!tpu.dma_semaphore, #tpu.memory_space<semaphore_mem>>)
    %dma_wait3A_106 = arith.constant 0 : i32
    %dma_wait3A_107 = tpu.memref_slice %arg3[%dma_wait3A_106] : memref<128xi32, #tpu.memory_space<hbm>> -> memref<128xi32, #tpu.memory_space<hbm>>
    tpu.wait_indirect_dma semaphore(%arg14 : memref<!tpu.dma_semaphore, #tpu.memory_space<semaphore_mem>>) src(%dma_wait3A_107 : memref<128xi32, #tpu.memory_space<hbm>>) dst(%arg6 : memref<16xi32, #tpu.memory_space<vmem>>)
    %add3A_108 = arith.constant 3 : i32
    %add3A_109 = arith.addi %mul3A_2, %add3A_108 : i32
    %mul3A_110 = arith.constant 100000 : i32
    %mul3A_111 = arith.muli %add3A_109, %mul3A_110 : i32
    %get3A_112 = arith.constant 0 : index
    %get3A_113 = tpu.vector_load %arg6[%get3A_112] {strides = array<i32>} : memref<16xi32, #tpu.memory_space<vmem>>, vector<16xi32>,
    %get3A_114 = vector.shape_cast %get3A_113 : vector<16xi32> to vector<16xi32>
    %add3A_115 = vector.broadcast %mul3A_111 : i32 to vector<16xi32>
    %add3A_116 = arith.addi %add3A_115, %get3A_114 : vector<16xi32>
    %swap3A_117 = arith.constant 0 : index
    %swap3A_118 = tpu.vector_load %arg5[%swap3A_117] {strides = array<i32>} : memref<16xi32, #tpu.memory_space<vmem>>, vector<16xi32>,
    %swap3A_119 = vector.shape_cast %swap3A_118 : vector<16xi32> to vector<16xi32>
    %swap3A_120 = vector.shape_cast %add3A_116 : vector<16xi32> to vector<16xi32>
    tpu.vector_store %arg5[%swap3A_117], %swap3A_120 {strides = array<i32>} : memref<16xi32, #tpu.memory_space<vmem>>, vector<16xi32>,
    %dma_start3A_121 = arith.constant 0 : i32
    %dma_start3A_122 = tpu.memref_slice %arg2[%dma_start3A_121] : memref<12800000xf32, #tpu.memory_space<hbm>> -> memref<12800000xf32, #tpu.memory_space<hbm>>
    tpu.enqueue_indirect_dma source(%dma_start3A_122 : memref<12800000xf32, #tpu.memory_space<hbm>>) target(%arg7 : memref<16xf32, #tpu.memory_space<vmem>>) offsets(%arg5 : memref<16xi32, #tpu.memory_space<vmem>>) semaphore(%arg14 : memref<!tpu.dma_semaphore, #tpu.memory_space<semaphore_mem>>)
    %dma_wait3A_123 = arith.constant 0 : i32
    %dma_wait3A_124 = tpu.memref_slice %arg2[%dma_wait3A_123] : memref<12800000xf32, #tpu.memory_space<hbm>> -> memref<12800000xf32, #tpu.memory_space<hbm>>
    tpu.wait_indirect_dma semaphore(%arg14 : memref<!tpu.dma_semaphore, #tpu.memory_space<semaphore_mem>>) src(%dma_wait3A_124 : memref<12800000xf32, #tpu.memory_space<hbm>>) dst(%arg7 : memref<16xf32, #tpu.memory_space<vmem>>)
    %get3A_125 = arith.constant 0 : index
    %get3A_126 = tpu.vector_load %arg7[%get3A_125] {strides = array<i32>} : memref<16xf32, #tpu.memory_space<vmem>>, vector<16xf32>,
    %get3A_127 = vector.shape_cast %get3A_126 : vector<16xf32> to vector<16xf32>
    %add3A_128 = arith.constant 0 : i32
    %add3A_129 = arith.addi %mul3A_2, %add3A_128 : i32
    %mul3A_130 = arith.constant 100000 : i32
    %mul3A_131 = arith.muli %add3A_129, %mul3A_130 : i32
    %add3A_132 = arith.constant 0 : i32
    %add3A_133 = arith.addi %mul3A_131, %add3A_132 : i32
    %dma_start3A_134 = tpu.memref_slice %arg2[%add3A_133] : memref<12800000xf32, #tpu.memory_space<hbm>> -> memref<10000xf32, #tpu.memory_space<hbm>>
    %dma_start3A_135 = tpu.memref_slice %arg2[%add3A_133] : memref<12800000xf32, #tpu.memory_space<hbm>> -> memref<10000xf32, #tpu.memory_space<hbm>>
    tpu.enqueue_dma source(%dma_start3A_135 : memref<10000xf32, #tpu.memory_space<hbm>>) target(%arg8 : memref<10000xf32, #tpu.memory_space<vmem>>) target_semaphore(%arg12 : memref<!tpu.dma_semaphore, #tpu.memory_space<semaphore_mem>>)
    %add3A_136 = arith.constant 0 : i32
    %add3A_137 = arith.addi %mul3A_2, %add3A_136 : i32
    %mul3A_138 = arith.constant 100000 : i32
    %mul3A_139 = arith.muli %add3A_137, %mul3A_138 : i32
    %add3A_140 = arith.constant 10000 : i32
    %add3A_141 = arith.addi %mul3A_139, %add3A_140 : i32
    %dma_start3A_142 = tpu.memref_slice %arg2[%add3A_141] : memref<12800000xf32, #tpu.memory_space<hbm>> -> memref<10000xf32, #tpu.memory_space<hbm>>
    %dma_start3A_143 = tpu.memref_slice %arg2[%add3A_141] : memref<12800000xf32, #tpu.memory_space<hbm>> -> memref<10000xf32, #tpu.memory_space<hbm>>
    tpu.enqueue_dma source(%dma_start3A_143 : memref<10000xf32, #tpu.memory_space<hbm>>) target(%arg9 : memref<10000xf32, #tpu.memory_space<vmem>>) target_semaphore(%arg13 : memref<!tpu.dma_semaphore, #tpu.memory_space<semaphore_mem>>)
    %swap3A_144 = arith.constant 0 : index
    %swap3A_145 = tpu.vector_load %arg10[%swap3A_144] {strides = array<i32>} : memref<32xi32, #tpu.memory_space<vmem>>, vector<16xi32>,
    %swap3A_146 = vector.shape_cast %swap3A_145 : vector<16xi32> to vector<16xi32>
    %swap3A_147 = vector.shape_cast %broadcast_in_dim3A_3 : vector<16xi32> to vector<16xi32>
    tpu.vector_store %arg10[%swap3A_144], %swap3A_147 {strides = array<i32>} : memref<32xi32, #tpu.memory_space<vmem>>, vector<16xi32>,
    %swap3A_148 = arith.constant 16 : index
    %swap3A_149 = tpu.vector_load %arg10[%swap3A_148] {strides = array<i32>} : memref<32xi32, #tpu.memory_space<vmem>>, vector<16xi32>,
    %swap3A_150 = vector.shape_cast %swap3A_149 : vector<16xi32> to vector<16xi32>
    %swap3A_151 = vector.shape_cast %broadcast_in_dim3A_3 : vector<16xi32> to vector<16xi32>
    tpu.vector_store %arg10[%swap3A_148], %swap3A_151 {strides = array<i32>} : memref<32xi32, #tpu.memory_space<vmem>>, vector<16xi32>,
    %swap3A_152 = arith.constant 0 : index
    %swap3A_153 = tpu.vector_load %arg11[%swap3A_152] {strides = array<i32>} : memref<128xi32, #tpu.memory_space<vmem>>, vector<16xi32>,
    %swap3A_154 = vector.shape_cast %swap3A_153 : vector<16xi32> to vector<16xi32>
    %swap3A_155 = vector.shape_cast %broadcast_in_dim3A_3 : vector<16xi32> to vector<16xi32>
    tpu.vector_store %arg11[%swap3A_152], %swap3A_155 {strides = array<i32>} : memref<128xi32, #tpu.memory_space<vmem>>, vector<16xi32>,
    %swap3A_156 = arith.constant 16 : index
    %swap3A_157 = tpu.vector_load %arg11[%swap3A_156] {strides = array<i32>} : memref<128xi32, #tpu.memory_space<vmem>>, vector<16xi32>,
    %swap3A_158 = vector.shape_cast %swap3A_157 : vector<16xi32> to vector<16xi32>
    %swap3A_159 = vector.shape_cast %broadcast_in_dim3A_3 : vector<16xi32> to vector<16xi32>
    tpu.vector_store %arg11[%swap3A_156], %swap3A_159 {strides = array<i32>} : memref<128xi32, #tpu.memory_space<vmem>>, vector<16xi32>,
    %swap3A_160 = arith.constant 32 : index
    %swap3A_161 = tpu.vector_load %arg11[%swap3A_160] {strides = array<i32>} : memref<128xi32, #tpu.memory_space<vmem>>, vector<16xi32>,
    %swap3A_162 = vector.shape_cast %swap3A_161 : vector<16xi32> to vector<16xi32>
    %swap3A_163 = vector.shape_cast %broadcast_in_dim3A_3 : vector<16xi32> to vector<16xi32>
    tpu.vector_store %arg11[%swap3A_160], %swap3A_163 {strides = array<i32>} : memref<128xi32, #tpu.memory_space<vmem>>, vector<16xi32>,
    %swap3A_164 = arith.constant 48 : index
    %swap3A_165 = tpu.vector_load %arg11[%swap3A_164] {strides = array<i32>} : memref<128xi32, #tpu.memory_space<vmem>>, vector<16xi32>,
    %swap3A_166 = vector.shape_cast %swap3A_165 : vector<16xi32> to vector<16xi32>
    %swap3A_167 = vector.shape_cast %broadcast_in_dim3A_3 : vector<16xi32> to vector<16xi32>
    tpu.vector_store %arg11[%swap3A_164], %swap3A_167 {strides = array<i32>} : memref<128xi32, #tpu.memory_space<vmem>>, vector<16xi32>,
    %swap3A_168 = arith.constant 64 : index
    %swap3A_169 = tpu.vector_load %arg11[%swap3A_168] {strides = array<i32>} : memref<128xi32, #tpu.memory_space<vmem>>, vector<16xi32>,
    %swap3A_170 = vector.shape_cast %swap3A_169 : vector<16xi32> to vector<16xi32>
    %swap3A_171 = vector.shape_cast %broadcast_in_dim3A_3 : vector<16xi32> to vector<16xi32>
    tpu.vector_store %arg11[%swap3A_168], %swap3A_171 {strides = array<i32>} : memref<128xi32, #tpu.memory_space<vmem>>, vector<16xi32>,
    %swap3A_172 = arith.constant 80 : index
    %swap3A_173 = tpu.vector_load %arg11[%swap3A_172] {strides = array<i32>} : memref<128xi32, #tpu.memory_space<vmem>>, vector<16xi32>,
    %swap3A_174 = vector.shape_cast %swap3A_173 : vector<16xi32> to vector<16xi32>
    %swap3A_175 = vector.shape_cast %broadcast_in_dim3A_3 : vector<16xi32> to vector<16xi32>
    tpu.vector_store %arg11[%swap3A_172], %swap3A_175 {strides = array<i32>} : memref<128xi32, #tpu.memory_space<vmem>>, vector<16xi32>,
    %swap3A_176 = arith.constant 96 : index
    %swap3A_177 = tpu.vector_load %arg11[%swap3A_176] {strides = array<i32>} : memref<128xi32, #tpu.memory_space<vmem>>, vector<16xi32>,
    %swap3A_178 = vector.shape_cast %swap3A_177 : vector<16xi32> to vector<16xi32>
    %swap3A_179 = vector.shape_cast %broadcast_in_dim3A_3 : vector<16xi32> to vector<16xi32>
    tpu.vector_store %arg11[%swap3A_176], %swap3A_179 {strides = array<i32>} : memref<128xi32, #tpu.memory_space<vmem>>, vector<16xi32>,
    %swap3A_180 = arith.constant 112 : index
    %swap3A_181 = tpu.vector_load %arg11[%swap3A_180] {strides = array<i32>} : memref<128xi32, #tpu.memory_space<vmem>>, vector<16xi32>,
    %swap3A_182 = vector.shape_cast %swap3A_181 : vector<16xi32> to vector<16xi32>
    %swap3A_183 = vector.shape_cast %broadcast_in_dim3A_3 : vector<16xi32> to vector<16xi32>
    tpu.vector_store %arg11[%swap3A_180], %swap3A_183 {strides = array<i32>} : memref<128xi32, #tpu.memory_space<vmem>>, vector<16xi32>,
    %scan3A = arith.constant 0 : i32
    %scan3A_184 = arith.constant 20 : i32
    %scan3A_185 = arith.addi %scan3A, %scan3A_184 : i32
    %scan3A_186 = arith.constant 1 : i32
    %scan3A_187 = scf.for %scan3A_189 = %scan3A to %scan3A_185 step %scan3A_186 iter_args(%scan3A_190 = %broadcast_in_dim3A_3) -> (vector<16xi32>)  : i32 {
      %mul3A_191 = arith.constant 2 : i32
      %mul3A_192 = arith.muli %mul3A_191, %scan3A_189 : i32
      %jit3A = arith.constant 10 : i32
      %div3A = arith.divsi %mul3A_192, %jit3A : i32
      %sign3A = arith.constant 0 : i32
      %sign3A_193 = arith.cmpi sgt, %mul3A_192, %sign3A : i32
      %sign3A_194 = arith.extui %sign3A_193 : i1 to i32
      %sign3A_195 = arith.constant 0 : i32
      %sign3A_196 = arith.cmpi slt, %mul3A_192, %sign3A_195 : i32
      %sign3A_197 = arith.extui %sign3A_196 : i1 to i32
      %sign3A_198 = arith.subi %sign3A_194, %sign3A_197 : i32
      %sign3A_199 = arith.constant 0 : i32
      %sign3A_200 = arith.cmpi sgt, %jit3A, %sign3A_199 : i32
      %sign3A_201 = arith.extui %sign3A_200 : i1 to i32
      %sign3A_202 = arith.constant 0 : i32
      %sign3A_203 = arith.cmpi slt, %jit3A, %sign3A_202 : i32
      %sign3A_204 = arith.extui %sign3A_203 : i1 to i32
      %sign3A_205 = arith.subi %sign3A_201, %sign3A_204 : i32
      %ne3A = arith.cmpi ne, %sign3A_198, %sign3A_205 : i32
      %rem3A = arith.remsi %mul3A_192, %jit3A : i32
      %ne3A_206 = arith.constant 0 : i32
      %ne3A_207 = arith.cmpi ne, %rem3A, %ne3A_206 : i32
      %and3A = arith.andi %ne3A, %ne3A_207 : i1
      %sub3A = arith.constant 1 : i32
      %sub3A_208 = arith.subi %div3A, %sub3A : i32
      %select_n3A = arith.select %and3A, %sub3A_208, %div3A : i32
      %mul3A_209 = arith.constant 10 : i32
      %mul3A_210 = arith.muli %select_n3A, %mul3A_209 : i32
      %sub3A_211 = arith.subi %mul3A_192, %mul3A_210 : i32
      %add3A_212 = arith.addi %mul3A_2, %select_n3A : i32
      %mul3A_213 = arith.constant 100000 : i32
      %mul3A_214 = arith.muli %add3A_212, %mul3A_213 : i32
      %mul3A_215 = arith.constant 10000 : i32
      %mul3A_216 = arith.muli %sub3A_211, %mul3A_215 : i32
      %add3A_217 = arith.addi %mul3A_214, %mul3A_216 : i32
      %dma_wait3A_218 = tpu.memref_slice %arg2[%add3A_217] : memref<12800000xf32, #tpu.memory_space<hbm>> -> memref<10000xf32, #tpu.memory_space<hbm>>
      %dma_wait3A_219 = tpu.memref_slice %arg2[%add3A_217] : memref<12800000xf32, #tpu.memory_space<hbm>> -> memref<10000xf32, #tpu.memory_space<hbm>>
      tpu.wait_dma2 semaphore(%arg12 : memref<!tpu.dma_semaphore, #tpu.memory_space<semaphore_mem>>) src(%dma_wait3A_219 : memref<10000xf32, #tpu.memory_space<hbm>>) dst(%arg8 : memref<10000xf32, #tpu.memory_space<vmem>>)
      %add3A_220 = arith.constant 2 : i32
      %add3A_221 = arith.addi %mul3A_192, %add3A_220 : i32
      %lt3A = arith.constant 40 : i32
      %lt3A_222 = arith.cmpi slt, %add3A_221, %lt3A : i32
      %convert_element_type3A = arith.extui %lt3A_222 : i1 to i32
      %cond3A = arith.constant 0 : i32
      %cond3A_223 = arith.cmpi ne, %convert_element_type3A, %cond3A : i32
      scf.if %cond3A_223 {
        %add3A_369 = arith.constant 2 : i32
        %add3A_370 = arith.addi %mul3A_192, %add3A_369 : i32
        %jit3A_371 = arith.constant 10 : i32
        %div3A_372 = arith.divsi %add3A_370, %jit3A_371 : i32
        %sign3A_373 = arith.constant 0 : i32
        %sign3A_374 = arith.cmpi sgt, %add3A_370, %sign3A_373 : i32
        %sign3A_375 = arith.extui %sign3A_374 : i1 to i32
        %sign3A_376 = arith.constant 0 : i32
        %sign3A_377 = arith.cmpi slt, %add3A_370, %sign3A_376 : i32
        %sign3A_378 = arith.extui %sign3A_377 : i1 to i32
        %sign3A_379 = arith.subi %sign3A_375, %sign3A_378 : i32
        %sign3A_380 = arith.constant 0 : i32
        %sign3A_381 = arith.cmpi sgt, %jit3A_371, %sign3A_380 : i32
        %sign3A_382 = arith.extui %sign3A_381 : i1 to i32
        %sign3A_383 = arith.constant 0 : i32
        %sign3A_384 = arith.cmpi slt, %jit3A_371, %sign3A_383 : i32
        %sign3A_385 = arith.extui %sign3A_384 : i1 to i32
        %sign3A_386 = arith.subi %sign3A_382, %sign3A_385 : i32
        %ne3A_387 = arith.cmpi ne, %sign3A_379, %sign3A_386 : i32
        %rem3A_388 = arith.remsi %add3A_370, %jit3A_371 : i32
        %ne3A_389 = arith.constant 0 : i32
        %ne3A_390 = arith.cmpi ne, %rem3A_388, %ne3A_389 : i32
        %and3A_391 = arith.andi %ne3A_387, %ne3A_390 : i1
        %sub3A_392 = arith.constant 1 : i32
        %sub3A_393 = arith.subi %div3A_372, %sub3A_392 : i32
        %select_n3A_394 = arith.select %and3A_391, %sub3A_393, %div3A_372 : i32
        %mul3A_395 = arith.constant 10 : i32
        %mul3A_396 = arith.muli %select_n3A_394, %mul3A_395 : i32
        %sub3A_397 = arith.subi %add3A_370, %mul3A_396 : i32
        %add3A_398 = arith.addi %mul3A_2, %select_n3A_394 : i32
        %mul3A_399 = arith.constant 100000 : i32
        %mul3A_400 = arith.muli %add3A_398, %mul3A_399 : i32
        %mul3A_401 = arith.constant 10000 : i32
        %mul3A_402 = arith.muli %sub3A_397, %mul3A_401 : i32
        %add3A_403 = arith.addi %mul3A_400, %mul3A_402 : i32
        %dma_start3A_404 = tpu.memref_slice %arg2[%add3A_403] : memref<12800000xf32, #tpu.memory_space<hbm>> -> memref<10000xf32, #tpu.memory_space<hbm>>
        %dma_start3A_405 = tpu.memref_slice %arg2[%add3A_403] : memref<12800000xf32, #tpu.memory_space<hbm>> -> memref<10000xf32, #tpu.memory_space<hbm>>
        tpu.enqueue_dma source(%dma_start3A_405 : memref<10000xf32, #tpu.memory_space<hbm>>) target(%arg8 : memref<10000xf32, #tpu.memory_space<vmem>>) target_semaphore(%arg12 : memref<!tpu.dma_semaphore, #tpu.memory_space<semaphore_mem>>)
      } else {
      }
      %jit3A_224 = arith.constant 10 : i32
      %div3A_225 = arith.divsi %mul3A_192, %jit3A_224 : i32
      %sign3A_226 = arith.constant 0 : i32
      %sign3A_227 = arith.cmpi sgt, %mul3A_192, %sign3A_226 : i32
      %sign3A_228 = arith.extui %sign3A_227 : i1 to i32
      %sign3A_229 = arith.constant 0 : i32
      %sign3A_230 = arith.cmpi slt, %mul3A_192, %sign3A_229 : i32
      %sign3A_231 = arith.extui %sign3A_230 : i1 to i32
      %sign3A_232 = arith.subi %sign3A_228, %sign3A_231 : i32
      %sign3A_233 = arith.constant 0 : i32
      %sign3A_234 = arith.cmpi sgt, %jit3A_224, %sign3A_233 : i32
      %sign3A_235 = arith.extui %sign3A_234 : i1 to i32
      %sign3A_236 = arith.constant 0 : i32
      %sign3A_237 = arith.cmpi slt, %jit3A_224, %sign3A_236 : i32
      %sign3A_238 = arith.extui %sign3A_237 : i1 to i32
      %sign3A_239 = arith.subi %sign3A_235, %sign3A_238 : i32
      %ne3A_240 = arith.cmpi ne, %sign3A_232, %sign3A_239 : i32
      %rem3A_241 = arith.remsi %mul3A_192, %jit3A_224 : i32
      %ne3A_242 = arith.constant 0 : i32
      %ne3A_243 = arith.cmpi ne, %rem3A_241, %ne3A_242 : i32
      %and3A_244 = arith.andi %ne3A_240, %ne3A_243 : i1
      %sub3A_245 = arith.constant 1 : i32
      %sub3A_246 = arith.subi %div3A_225, %sub3A_245 : i32
      %select_n3A_247 = arith.select %and3A_244, %sub3A_246, %div3A_225 : i32
      %eq3A = arith.constant 0 : i32
      %eq3A_248 = arith.cmpi eq, %select_n3A_247, %eq3A : i32
      %eq3A_249 = arith.constant 1 : i32
      %eq3A_250 = arith.cmpi eq, %select_n3A_247, %eq3A_249 : i32
      %eq3A_251 = arith.constant 2 : i32
      %eq3A_252 = arith.cmpi eq, %select_n3A_247, %eq3A_251 : i32
      %select_n3A_253 = arith.select %eq3A_252, %get3A_95, %get3A_127 : vector<16xf32>
      %select_n3A_254 = arith.select %eq3A_250, %get3A_63, %select_n3A_253 : vector<16xf32>
      %select_n3A_255 = arith.select %eq3A_248, %get3A_31, %select_n3A_254 : vector<16xf32>
      %scan3A_256 = arith.constant 0 : i32
      %scan3A_257 = arith.constant 125 : i32
      %scan3A_258 = arith.addi %scan3A_256, %scan3A_257 : i32
      %scan3A_259 = arith.constant 1 : i32
      %scan3A_260 = scf.for %scan3A_369 = %scan3A_256 to %scan3A_258 step %scan3A_259 iter_args(%scan3A_370 = %scan3A_190) -> (vector<16xi32>)  : i32 {
        %mul3A_371 = arith.constant 5 : i32
        %mul3A_372 = arith.muli %scan3A_369, %mul3A_371 : i32
        %add3A_373 = arith.constant 0 : i32
        %add3A_374 = arith.addi %mul3A_372, %add3A_373 : i32
        %mul3A_375 = arith.constant 16 : i32
        %mul3A_376 = arith.muli %add3A_374, %mul3A_375 : i32
        %get3A_377 = arith.index_cast %mul3A_376 : i32 to index
        %get3A_378 = tpu.vector_load %arg8[%get3A_377] {strides = array<i32>} : memref<10000xf32, #tpu.memory_space<vmem>>, vector<16xf32>,
        %get3A_379 = vector.shape_cast %get3A_378 : vector<16xf32> to vector<16xf32>
        %gt3A = arith.cmpf ogt, %get3A_379, %select_n3A_255 : vector<16xf32>
        %jit3A_380 = arith.constant 1 : i32
        %jit3A_381 = arith.constant 0 : i32
        %broadcast_in_dim3A_382 = vector.broadcast %jit3A_380 : i32 to vector<16xi32>
        %broadcast_in_dim3A_383 = vector.broadcast %jit3A_381 : i32 to vector<16xi32>
        %select_n3A_384 = arith.select %gt3A, %broadcast_in_dim3A_382, %broadcast_in_dim3A_383 : vector<16xi1>, vector<16xi32>
        %add3A_385 = arith.addi %scan3A_370, %select_n3A_384 : vector<16xi32>
        %mul3A_386 = arith.constant 5 : i32
        %mul3A_387 = arith.muli %scan3A_369, %mul3A_386 : i32
        %add3A_388 = arith.constant 1 : i32
        %add3A_389 = arith.addi %mul3A_387, %add3A_388 : i32
        %mul3A_390 = arith.constant 16 : i32
        %mul3A_391 = arith.muli %add3A_389, %mul3A_390 : i32
        %get3A_392 = arith.index_cast %mul3A_391 : i32 to index
        %get3A_393 = tpu.vector_load %arg8[%get3A_392] {strides = array<i32>} : memref<10000xf32, #tpu.memory_space<vmem>>, vector<16xf32>,
        %get3A_394 = vector.shape_cast %get3A_393 : vector<16xf32> to vector<16xf32>
        %gt3A_395 = arith.cmpf ogt, %get3A_394, %select_n3A_255 : vector<16xf32>
        %jit3A_396 = arith.constant 1 : i32
        %jit3A_397 = arith.constant 0 : i32
        %broadcast_in_dim3A_398 = vector.broadcast %jit3A_396 : i32 to vector<16xi32>
        %broadcast_in_dim3A_399 = vector.broadcast %jit3A_397 : i32 to vector<16xi32>
        %select_n3A_400 = arith.select %gt3A_395, %broadcast_in_dim3A_398, %broadcast_in_dim3A_399 : vector<16xi1>, vector<16xi32>
        %add3A_401 = arith.addi %add3A_385, %select_n3A_400 : vector<16xi32>
        %mul3A_402 = arith.constant 5 : i32
        %mul3A_403 = arith.muli %scan3A_369, %mul3A_402 : i32
        %add3A_404 = arith.constant 2 : i32
        %add3A_405 = arith.addi %mul3A_403, %add3A_404 : i32
        %mul3A_406 = arith.constant 16 : i32
        %mul3A_407 = arith.muli %add3A_405, %mul3A_406 : i32
        %get3A_408 = arith.index_cast %mul3A_407 : i32 to index
        %get3A_409 = tpu.vector_load %arg8[%get3A_408] {strides = array<i32>} : memref<10000xf32, #tpu.memory_space<vmem>>, vector<16xf32>,
        %get3A_410 = vector.shape_cast %get3A_409 : vector<16xf32> to vector<16xf32>
        %gt3A_411 = arith.cmpf ogt, %get3A_410, %select_n3A_255 : vector<16xf32>
        %jit3A_412 = arith.constant 1 : i32
        %jit3A_413 = arith.constant 0 : i32
        %broadcast_in_dim3A_414 = vector.broadcast %jit3A_412 : i32 to vector<16xi32>
        %broadcast_in_dim3A_415 = vector.broadcast %jit3A_413 : i32 to vector<16xi32>
        %select_n3A_416 = arith.select %gt3A_411, %broadcast_in_dim3A_414, %broadcast_in_dim3A_415 : vector<16xi1>, vector<16xi32>
        %add3A_417 = arith.addi %add3A_401, %select_n3A_416 : vector<16xi32>
        %mul3A_418 = arith.constant 5 : i32
        %mul3A_419 = arith.muli %scan3A_369, %mul3A_418 : i32
        %add3A_420 = arith.constant 3 : i32
        %add3A_421 = arith.addi %mul3A_419, %add3A_420 : i32
        %mul3A_422 = arith.constant 16 : i32
        %mul3A_423 = arith.muli %add3A_421, %mul3A_422 : i32
        %get3A_424 = arith.index_cast %mul3A_423 : i32 to index
        %get3A_425 = tpu.vector_load %arg8[%get3A_424] {strides = array<i32>} : memref<10000xf32, #tpu.memory_space<vmem>>, vector<16xf32>,
        %get3A_426 = vector.shape_cast %get3A_425 : vector<16xf32> to vector<16xf32>
        %gt3A_427 = arith.cmpf ogt, %get3A_426, %select_n3A_255 : vector<16xf32>
        %jit3A_428 = arith.constant 1 : i32
        %jit3A_429 = arith.constant 0 : i32
        %broadcast_in_dim3A_430 = vector.broadcast %jit3A_428 : i32 to vector<16xi32>
        %broadcast_in_dim3A_431 = vector.broadcast %jit3A_429 : i32 to vector<16xi32>
        %select_n3A_432 = arith.select %gt3A_427, %broadcast_in_dim3A_430, %broadcast_in_dim3A_431 : vector<16xi1>, vector<16xi32>
        %add3A_433 = arith.addi %add3A_417, %select_n3A_432 : vector<16xi32>
        %mul3A_434 = arith.constant 5 : i32
        %mul3A_435 = arith.muli %scan3A_369, %mul3A_434 : i32
        %add3A_436 = arith.constant 4 : i32
        %add3A_437 = arith.addi %mul3A_435, %add3A_436 : i32
        %mul3A_438 = arith.constant 16 : i32
        %mul3A_439 = arith.muli %add3A_437, %mul3A_438 : i32
        %get3A_440 = arith.index_cast %mul3A_439 : i32 to index
        %get3A_441 = tpu.vector_load %arg8[%get3A_440] {strides = array<i32>} : memref<10000xf32, #tpu.memory_space<vmem>>, vector<16xf32>,
        %get3A_442 = vector.shape_cast %get3A_441 : vector<16xf32> to vector<16xf32>
        %gt3A_443 = arith.cmpf ogt, %get3A_442, %select_n3A_255 : vector<16xf32>
        %jit3A_444 = arith.constant 1 : i32
        %jit3A_445 = arith.constant 0 : i32
        %broadcast_in_dim3A_446 = vector.broadcast %jit3A_444 : i32 to vector<16xi32>
        %broadcast_in_dim3A_447 = vector.broadcast %jit3A_445 : i32 to vector<16xi32>
        %select_n3A_448 = arith.select %gt3A_443, %broadcast_in_dim3A_446, %broadcast_in_dim3A_447 : vector<16xi1>, vector<16xi32>
        %add3A_449 = arith.addi %add3A_433, %select_n3A_448 : vector<16xi32>
        scf.yield %add3A_449 : vector<16xi32>
      }
      %scan3A_261 = arith.constant 125 : i32
      %mul3A_262 = arith.constant 10 : i32
      %mul3A_263 = arith.muli %select_n3A_247, %mul3A_262 : i32
      %sub3A_264 = arith.subi %mul3A_192, %mul3A_263 : i32
      %eq3A_265 = arith.constant 9 : i32
      %eq3A_266 = arith.cmpi eq, %sub3A_264, %eq3A_265 : i32
      %convert_element_type3A_267 = arith.extui %eq3A_266 : i1 to i32
      %cond3A_268 = arith.constant 0 : i32
      %cond3A_269 = arith.cmpi ne, %convert_element_type3A_267, %cond3A_268 : i32
      scf.if %cond3A_269 {
        %swap3A_369 = arith.constant 0 : index
        %swap3A_370 = tpu.vector_load %arg10[%swap3A_369] {strides = array<i32>} : memref<32xi32, #tpu.memory_space<vmem>>, vector<16xi32>,
        %swap3A_371 = vector.shape_cast %swap3A_370 : vector<16xi32> to vector<16xi32>
        %swap3A_372 = vector.shape_cast %scan3A_260 : vector<16xi32> to vector<16xi32>
        tpu.vector_store %arg10[%swap3A_369], %swap3A_372 {strides = array<i32>} : memref<32xi32, #tpu.memory_space<vmem>>, vector<16xi32>,
        %get3A_373 = arith.constant 8 : index
        %get3A_374 = tpu.vector_load %arg10[%get3A_373] {strides = array<i32>} : memref<32xi32, #tpu.memory_space<vmem>>, vector<16xi32>,
        %get3A_375 = vector.shape_cast %get3A_374 : vector<16xi32> to vector<16xi32>
        %add3A_376 = arith.addi %scan3A_260, %get3A_375 : vector<16xi32>
        %swap3A_377 = arith.constant 0 : index
        %swap3A_378 = tpu.vector_load %arg10[%swap3A_377] {strides = array<i32>} : memref<32xi32, #tpu.memory_space<vmem>>, vector<16xi32>,
        %swap3A_379 = vector.shape_cast %swap3A_378 : vector<16xi32> to vector<16xi32>
        %swap3A_380 = vector.shape_cast %add3A_376 : vector<16xi32> to vector<16xi32>
        tpu.vector_store %arg10[%swap3A_377], %swap3A_380 {strides = array<i32>} : memref<32xi32, #tpu.memory_space<vmem>>, vector<16xi32>,
        %get3A_381 = arith.constant 4 : index
        %get3A_382 = tpu.vector_load %arg10[%get3A_381] {strides = array<i32>} : memref<32xi32, #tpu.memory_space<vmem>>, vector<16xi32>,
        %get3A_383 = vector.shape_cast %get3A_382 : vector<16xi32> to vector<16xi32>
        %add3A_384 = arith.addi %add3A_376, %get3A_383 : vector<16xi32>
        %swap3A_385 = arith.constant 0 : index
        %swap3A_386 = tpu.vector_load %arg10[%swap3A_385] {strides = array<i32>} : memref<32xi32, #tpu.memory_space<vmem>>, vector<16xi32>,
        %swap3A_387 = vector.shape_cast %swap3A_386 : vector<16xi32> to vector<16xi32>
        %swap3A_388 = vector.shape_cast %add3A_384 : vector<16xi32> to vector<16xi32>
        tpu.vector_store %arg10[%swap3A_385], %swap3A_388 {strides = array<i32>} : memref<32xi32, #tpu.memory_space<vmem>>, vector<16xi32>,
        %get3A_389 = arith.constant 2 : index
        %get3A_390 = tpu.vector_load %arg10[%get3A_389] {strides = array<i32>} : memref<32xi32, #tpu.memory_space<vmem>>, vector<16xi32>,
        %get3A_391 = vector.shape_cast %get3A_390 : vector<16xi32> to vector<16xi32>
        %add3A_392 = arith.addi %add3A_384, %get3A_391 : vector<16xi32>
        %swap3A_393 = arith.constant 0 : index
        %swap3A_394 = tpu.vector_load %arg10[%swap3A_393] {strides = array<i32>} : memref<32xi32, #tpu.memory_space<vmem>>, vector<16xi32>,
        %swap3A_395 = vector.shape_cast %swap3A_394 : vector<16xi32> to vector<16xi32>
        %swap3A_396 = vector.shape_cast %add3A_392 : vector<16xi32> to vector<16xi32>
        tpu.vector_store %arg10[%swap3A_393], %swap3A_396 {strides = array<i32>} : memref<32xi32, #tpu.memory_space<vmem>>, vector<16xi32>,
        %get3A_397 = arith.constant 1 : index
        %get3A_398 = tpu.vector_load %arg10[%get3A_397] {strides = array<i32>} : memref<32xi32, #tpu.memory_space<vmem>>, vector<16xi32>,
        %get3A_399 = vector.shape_cast %get3A_398 : vector<16xi32> to vector<16xi32>
        %add3A_400 = arith.addi %add3A_392, %get3A_399 : vector<16xi32>
        %add3A_401 = arith.constant 1 : i32
        %add3A_402 = vector.broadcast %add3A_401 : i32 to vector<16xi32>
        %add3A_403 = arith.addi %add3A_400, %add3A_402 : vector<16xi32>
        %swap3A_404 = arith.index_cast %select_n3A_247 : i32 to index
        %swap3A_405 = tpu.vector_load %arg11[%swap3A_404] {strides = array<i32>} : memref<128xi32, #tpu.memory_space<vmem>>, vector<16xi32>,
        %swap3A_406 = vector.shape_cast %swap3A_405 : vector<16xi32> to vector<16xi32>
        %swap3A_407 = vector.shape_cast %add3A_403 : vector<16xi32> to vector<16xi32>
        tpu.vector_store %arg11[%swap3A_404], %swap3A_407 {strides = array<i32>} : memref<128xi32, #tpu.memory_space<vmem>>, vector<16xi32>,
      } else {
      }
      %jit3A_270 = arith.constant 0 : i32
      %broadcast_in_dim3A_271 = vector.broadcast %jit3A_270 : i32 to vector<16xi32>
      %select_n3A_272 = arith.select %eq3A_266, %broadcast_in_dim3A_271, %scan3A_260 : vector<16xi32>
      %mul3A_273 = arith.constant 2 : i32
      %mul3A_274 = arith.muli %mul3A_273, %scan3A_189 : i32
      %add3A_275 = arith.constant 1 : i32
      %add3A_276 = arith.addi %mul3A_274, %add3A_275 : i32
      %jit3A_277 = arith.constant 10 : i32
      %div3A_278 = arith.divsi %add3A_276, %jit3A_277 : i32
      %sign3A_279 = arith.constant 0 : i32
      %sign3A_280 = arith.cmpi sgt, %add3A_276, %sign3A_279 : i32
      %sign3A_281 = arith.extui %sign3A_280 : i1 to i32
      %sign3A_282 = arith.constant 0 : i32
      %sign3A_283 = arith.cmpi slt, %add3A_276, %sign3A_282 : i32
      %sign3A_284 = arith.extui %sign3A_283 : i1 to i32
      %sign3A_285 = arith.subi %sign3A_281, %sign3A_284 : i32
      %sign3A_286 = arith.constant 0 : i32
      %sign3A_287 = arith.cmpi sgt, %jit3A_277, %sign3A_286 : i32
      %sign3A_288 = arith.extui %sign3A_287 : i1 to i32
      %sign3A_289 = arith.constant 0 : i32
      %sign3A_290 = arith.cmpi slt, %jit3A_277, %sign3A_289 : i32
      %sign3A_291 = arith.extui %sign3A_290 : i1 to i32
      %sign3A_292 = arith.subi %sign3A_288, %sign3A_291 : i32
      %ne3A_293 = arith.cmpi ne, %sign3A_285, %sign3A_292 : i32
      %rem3A_294 = arith.remsi %add3A_276, %jit3A_277 : i32
      %ne3A_295 = arith.constant 0 : i32
      %ne3A_296 = arith.cmpi ne, %rem3A_294, %ne3A_295 : i32
      %and3A_297 = arith.andi %ne3A_293, %ne3A_296 : i1
      %sub3A_298 = arith.constant 1 : i32
      %sub3A_299 = arith.subi %div3A_278, %sub3A_298 : i32
      %select_n3A_300 = arith.select %and3A_297, %sub3A_299, %div3A_278 : i32
      %mul3A_301 = arith.constant 10 : i32
      %mul3A_302 = arith.muli %select_n3A_300, %mul3A_301 : i32
      %sub3A_303 = arith.subi %add3A_276, %mul3A_302 : i32
      %add3A_304 = arith.addi %mul3A_2, %select_n3A_300 : i32
      %mul3A_305 = arith.constant 100000 : i32
      %mul3A_306 = arith.muli %add3A_304, %mul3A_305 : i32
      %mul3A_307 = arith.constant 10000 : i32
      %mul3A_308 = arith.muli %sub3A_303, %mul3A_307 : i32
      %add3A_309 = arith.addi %mul3A_306, %mul3A_308 : i32
      %dma_wait3A_310 = tpu.memref_slice %arg2[%add3A_309] : memref<12800000xf32, #tpu.memory_space<hbm>> -> memref<10000xf32, #tpu.memory_space<hbm>>
      %dma_wait3A_311 = tpu.memref_slice %arg2[%add3A_309] : memref<12800000xf32, #tpu.memory_space<hbm>> -> memref<10000xf32, #tpu.memory_space<hbm>>
      tpu.wait_dma2 semaphore(%arg13 : memref<!tpu.dma_semaphore, #tpu.memory_space<semaphore_mem>>) src(%dma_wait3A_311 : memref<10000xf32, #tpu.memory_space<hbm>>) dst(%arg9 : memref<10000xf32, #tpu.memory_space<vmem>>)
      %add3A_312 = arith.constant 2 : i32
      %add3A_313 = arith.addi %add3A_276, %add3A_312 : i32
      %lt3A_314 = arith.constant 40 : i32
      %lt3A_315 = arith.cmpi slt, %add3A_313, %lt3A_314 : i32
      %convert_element_type3A_316 = arith.extui %lt3A_315 : i1 to i32
      %cond3A_317 = arith.constant 0 : i32
      %cond3A_318 = arith.cmpi ne, %convert_element_type3A_316, %cond3A_317 : i32
      scf.if %cond3A_318 {
        %add3A_369 = arith.constant 2 : i32
        %add3A_370 = arith.addi %add3A_276, %add3A_369 : i32
        %jit3A_371 = arith.constant 10 : i32
        %div3A_372 = arith.divsi %add3A_370, %jit3A_371 : i32
        %sign3A_373 = arith.constant 0 : i32
        %sign3A_374 = arith.cmpi sgt, %add3A_370, %sign3A_373 : i32
        %sign3A_375 = arith.extui %sign3A_374 : i1 to i32
        %sign3A_376 = arith.constant 0 : i32
        %sign3A_377 = arith.cmpi slt, %add3A_370, %sign3A_376 : i32
        %sign3A_378 = arith.extui %sign3A_377 : i1 to i32
        %sign3A_379 = arith.subi %sign3A_375, %sign3A_378 : i32
        %sign3A_380 = arith.constant 0 : i32
        %sign3A_381 = arith.cmpi sgt, %jit3A_371, %sign3A_380 : i32
        %sign3A_382 = arith.extui %sign3A_381 : i1 to i32
        %sign3A_383 = arith.constant 0 : i32
        %sign3A_384 = arith.cmpi slt, %jit3A_371, %sign3A_383 : i32
        %sign3A_385 = arith.extui %sign3A_384 : i1 to i32
        %sign3A_386 = arith.subi %sign3A_382, %sign3A_385 : i32
        %ne3A_387 = arith.cmpi ne, %sign3A_379, %sign3A_386 : i32
        %rem3A_388 = arith.remsi %add3A_370, %jit3A_371 : i32
        %ne3A_389 = arith.constant 0 : i32
        %ne3A_390 = arith.cmpi ne, %rem3A_388, %ne3A_389 : i32
        %and3A_391 = arith.andi %ne3A_387, %ne3A_390 : i1
        %sub3A_392 = arith.constant 1 : i32
        %sub3A_393 = arith.subi %div3A_372, %sub3A_392 : i32
        %select_n3A_394 = arith.select %and3A_391, %sub3A_393, %div3A_372 : i32
        %mul3A_395 = arith.constant 10 : i32
        %mul3A_396 = arith.muli %select_n3A_394, %mul3A_395 : i32
        %sub3A_397 = arith.subi %add3A_370, %mul3A_396 : i32
        %add3A_398 = arith.addi %mul3A_2, %select_n3A_394 : i32
        %mul3A_399 = arith.constant 100000 : i32
        %mul3A_400 = arith.muli %add3A_398, %mul3A_399 : i32
        %mul3A_401 = arith.constant 10000 : i32
        %mul3A_402 = arith.muli %sub3A_397, %mul3A_401 : i32
        %add3A_403 = arith.addi %mul3A_400, %mul3A_402 : i32
        %dma_start3A_404 = tpu.memref_slice %arg2[%add3A_403] : memref<12800000xf32, #tpu.memory_space<hbm>> -> memref<10000xf32, #tpu.memory_space<hbm>>
        %dma_start3A_405 = tpu.memref_slice %arg2[%add3A_403] : memref<12800000xf32, #tpu.memory_space<hbm>> -> memref<10000xf32, #tpu.memory_space<hbm>>
        tpu.enqueue_dma source(%dma_start3A_405 : memref<10000xf32, #tpu.memory_space<hbm>>) target(%arg9 : memref<10000xf32, #tpu.memory_space<vmem>>) target_semaphore(%arg13 : memref<!tpu.dma_semaphore, #tpu.memory_space<semaphore_mem>>)
      } else {
      }
      %jit3A_319 = arith.constant 10 : i32
      %div3A_320 = arith.divsi %add3A_276, %jit3A_319 : i32
      %sign3A_321 = arith.constant 0 : i32
      %sign3A_322 = arith.cmpi sgt, %add3A_276, %sign3A_321 : i32
      %sign3A_323 = arith.extui %sign3A_322 : i1 to i32
      %sign3A_324 = arith.constant 0 : i32
      %sign3A_325 = arith.cmpi slt, %add3A_276, %sign3A_324 : i32
      %sign3A_326 = arith.extui %sign3A_325 : i1 to i32
      %sign3A_327 = arith.subi %sign3A_323, %sign3A_326 : i32
      %sign3A_328 = arith.constant 0 : i32
      %sign3A_329 = arith.cmpi sgt, %jit3A_319, %sign3A_328 : i32
      %sign3A_330 = arith.extui %sign3A_329 : i1 to i32
      %sign3A_331 = arith.constant 0 : i32
      %sign3A_332 = arith.cmpi slt, %jit3A_319, %sign3A_331 : i32
      %sign3A_333 = arith.extui %sign3A_332 : i1 to i32
      %sign3A_334 = arith.subi %sign3A_330, %sign3A_333 : i32
      %ne3A_335 = arith.cmpi ne, %sign3A_327, %sign3A_334 : i32
      %rem3A_336 = arith.remsi %add3A_276, %jit3A_319 : i32
      %ne3A_337 = arith.constant 0 : i32
      %ne3A_338 = arith.cmpi ne, %rem3A_336, %ne3A_337 : i32
      %and3A_339 = arith.andi %ne3A_335, %ne3A_338 : i1
      %sub3A_340 = arith.constant 1 : i32
      %sub3A_341 = arith.subi %div3A_320, %sub3A_340 : i32
      %select_n3A_342 = arith.select %and3A_339, %sub3A_341, %div3A_320 : i32
      %eq3A_343 = arith.constant 0 : i32
      %eq3A_344 = arith.cmpi eq, %select_n3A_342, %eq3A_343 : i32
      %eq3A_345 = arith.constant 1 : i32
      %eq3A_346 = arith.cmpi eq, %select_n3A_342, %eq3A_345 : i32
      %eq3A_347 = arith.constant 2 : i32
      %eq3A_348 = arith.cmpi eq, %select_n3A_342, %eq3A_347 : i32
      %select_n3A_349 = arith.select %eq3A_348, %get3A_95, %get3A_127 : vector<16xf32>
      %select_n3A_350 = arith.select %eq3A_346, %get3A_63, %select_n3A_349 : vector<16xf32>
      %select_n3A_351 = arith.select %eq3A_344, %get3A_31, %select_n3A_350 : vector<16xf32>
      %scan3A_352 = arith.constant 0 : i32
      %scan3A_353 = arith.constant 125 : i32
      %scan3A_354 = arith.addi %scan3A_352, %scan3A_353 : i32
      %scan3A_355 = arith.constant 1 : i32
      %scan3A_356 = scf.for %scan3A_369 = %scan3A_352 to %scan3A_354 step %scan3A_355 iter_args(%scan3A_370 = %select_n3A_272) -> (vector<16xi32>)  : i32 {
        %mul3A_371 = arith.constant 5 : i32
        %mul3A_372 = arith.muli %scan3A_369, %mul3A_371 : i32
        %add3A_373 = arith.constant 0 : i32
        %add3A_374 = arith.addi %mul3A_372, %add3A_373 : i32
        %mul3A_375 = arith.constant 16 : i32
        %mul3A_376 = arith.muli %add3A_374, %mul3A_375 : i32
        %get3A_377 = arith.index_cast %mul3A_376 : i32 to index
        %get3A_378 = tpu.vector_load %arg9[%get3A_377] {strides = array<i32>} : memref<10000xf32, #tpu.memory_space<vmem>>, vector<16xf32>,
        %get3A_379 = vector.shape_cast %get3A_378 : vector<16xf32> to vector<16xf32>
        %gt3A = arith.cmpf ogt, %get3A_379, %select_n3A_351 : vector<16xf32>
        %jit3A_380 = arith.constant 1 : i32
        %jit3A_381 = arith.constant 0 : i32
        %broadcast_in_dim3A_382 = vector.broadcast %jit3A_380 : i32 to vector<16xi32>
        %broadcast_in_dim3A_383 = vector.broadcast %jit3A_381 : i32 to vector<16xi32>
        %select_n3A_384 = arith.select %gt3A, %broadcast_in_dim3A_382, %broadcast_in_dim3A_383 : vector<16xi1>, vector<16xi32>
        %add3A_385 = arith.addi %scan3A_370, %select_n3A_384 : vector<16xi32>
        %mul3A_386 = arith.constant 5 : i32
        %mul3A_387 = arith.muli %scan3A_369, %mul3A_386 : i32
        %add3A_388 = arith.constant 1 : i32
        %add3A_389 = arith.addi %mul3A_387, %add3A_388 : i32
        %mul3A_390 = arith.constant 16 : i32
        %mul3A_391 = arith.muli %add3A_389, %mul3A_390 : i32
        %get3A_392 = arith.index_cast %mul3A_391 : i32 to index
        %get3A_393 = tpu.vector_load %arg9[%get3A_392] {strides = array<i32>} : memref<10000xf32, #tpu.memory_space<vmem>>, vector<16xf32>,
        %get3A_394 = vector.shape_cast %get3A_393 : vector<16xf32> to vector<16xf32>
        %gt3A_395 = arith.cmpf ogt, %get3A_394, %select_n3A_351 : vector<16xf32>
        %jit3A_396 = arith.constant 1 : i32
        %jit3A_397 = arith.constant 0 : i32
        %broadcast_in_dim3A_398 = vector.broadcast %jit3A_396 : i32 to vector<16xi32>
        %broadcast_in_dim3A_399 = vector.broadcast %jit3A_397 : i32 to vector<16xi32>
        %select_n3A_400 = arith.select %gt3A_395, %broadcast_in_dim3A_398, %broadcast_in_dim3A_399 : vector<16xi1>, vector<16xi32>
        %add3A_401 = arith.addi %add3A_385, %select_n3A_400 : vector<16xi32>
        %mul3A_402 = arith.constant 5 : i32
        %mul3A_403 = arith.muli %scan3A_369, %mul3A_402 : i32
        %add3A_404 = arith.constant 2 : i32
        %add3A_405 = arith.addi %mul3A_403, %add3A_404 : i32
        %mul3A_406 = arith.constant 16 : i32
        %mul3A_407 = arith.muli %add3A_405, %mul3A_406 : i32
        %get3A_408 = arith.index_cast %mul3A_407 : i32 to index
        %get3A_409 = tpu.vector_load %arg9[%get3A_408] {strides = array<i32>} : memref<10000xf32, #tpu.memory_space<vmem>>, vector<16xf32>,
        %get3A_410 = vector.shape_cast %get3A_409 : vector<16xf32> to vector<16xf32>
        %gt3A_411 = arith.cmpf ogt, %get3A_410, %select_n3A_351 : vector<16xf32>
        %jit3A_412 = arith.constant 1 : i32
        %jit3A_413 = arith.constant 0 : i32
        %broadcast_in_dim3A_414 = vector.broadcast %jit3A_412 : i32 to vector<16xi32>
        %broadcast_in_dim3A_415 = vector.broadcast %jit3A_413 : i32 to vector<16xi32>
        %select_n3A_416 = arith.select %gt3A_411, %broadcast_in_dim3A_414, %broadcast_in_dim3A_415 : vector<16xi1>, vector<16xi32>
        %add3A_417 = arith.addi %add3A_401, %select_n3A_416 : vector<16xi32>
        %mul3A_418 = arith.constant 5 : i32
        %mul3A_419 = arith.muli %scan3A_369, %mul3A_418 : i32
        %add3A_420 = arith.constant 3 : i32
        %add3A_421 = arith.addi %mul3A_419, %add3A_420 : i32
        %mul3A_422 = arith.constant 16 : i32
        %mul3A_423 = arith.muli %add3A_421, %mul3A_422 : i32
        %get3A_424 = arith.index_cast %mul3A_423 : i32 to index
        %get3A_425 = tpu.vector_load %arg9[%get3A_424] {strides = array<i32>} : memref<10000xf32, #tpu.memory_space<vmem>>, vector<16xf32>,
        %get3A_426 = vector.shape_cast %get3A_425 : vector<16xf32> to vector<16xf32>
        %gt3A_427 = arith.cmpf ogt, %get3A_426, %select_n3A_351 : vector<16xf32>
        %jit3A_428 = arith.constant 1 : i32
        %jit3A_429 = arith.constant 0 : i32
        %broadcast_in_dim3A_430 = vector.broadcast %jit3A_428 : i32 to vector<16xi32>
        %broadcast_in_dim3A_431 = vector.broadcast %jit3A_429 : i32 to vector<16xi32>
        %select_n3A_432 = arith.select %gt3A_427, %broadcast_in_dim3A_430, %broadcast_in_dim3A_431 : vector<16xi1>, vector<16xi32>
        %add3A_433 = arith.addi %add3A_417, %select_n3A_432 : vector<16xi32>
        %mul3A_434 = arith.constant 5 : i32
        %mul3A_435 = arith.muli %scan3A_369, %mul3A_434 : i32
        %add3A_436 = arith.constant 4 : i32
        %add3A_437 = arith.addi %mul3A_435, %add3A_436 : i32
        %mul3A_438 = arith.constant 16 : i32
        %mul3A_439 = arith.muli %add3A_437, %mul3A_438 : i32
        %get3A_440 = arith.index_cast %mul3A_439 : i32 to index
        %get3A_441 = tpu.vector_load %arg9[%get3A_440] {strides = array<i32>} : memref<10000xf32, #tpu.memory_space<vmem>>, vector<16xf32>,
        %get3A_442 = vector.shape_cast %get3A_441 : vector<16xf32> to vector<16xf32>
        %gt3A_443 = arith.cmpf ogt, %get3A_442, %select_n3A_351 : vector<16xf32>
        %jit3A_444 = arith.constant 1 : i32
        %jit3A_445 = arith.constant 0 : i32
        %broadcast_in_dim3A_446 = vector.broadcast %jit3A_444 : i32 to vector<16xi32>
        %broadcast_in_dim3A_447 = vector.broadcast %jit3A_445 : i32 to vector<16xi32>
        %select_n3A_448 = arith.select %gt3A_443, %broadcast_in_dim3A_446, %broadcast_in_dim3A_447 : vector<16xi1>, vector<16xi32>
        %add3A_449 = arith.addi %add3A_433, %select_n3A_448 : vector<16xi32>
        scf.yield %add3A_449 : vector<16xi32>
      }
      %scan3A_357 = arith.constant 125 : i32
      %mul3A_358 = arith.constant 10 : i32
      %mul3A_359 = arith.muli %select_n3A_342, %mul3A_358 : i32
      %sub3A_360 = arith.subi %add3A_276, %mul3A_359 : i32
      %eq3A_361 = arith.constant 9 : i32
      %eq3A_362 = arith.cmpi eq, %sub3A_360, %eq3A_361 : i32
      %convert_element_type3A_363 = arith.extui %eq3A_362 : i1 to i32
      %cond3A_364 = arith.constant 0 : i32
      %cond3A_365 = arith.cmpi ne, %convert_element_type3A_363, %cond3A_364 : i32
      scf.if %cond3A_365 {
        %swap3A_369 = arith.constant 0 : index
        %swap3A_370 = tpu.vector_load %arg10[%swap3A_369] {strides = array<i32>} : memref<32xi32, #tpu.memory_space<vmem>>, vector<16xi32>,
        %swap3A_371 = vector.shape_cast %swap3A_370 : vector<16xi32> to vector<16xi32>
        %swap3A_372 = vector.shape_cast %scan3A_356 : vector<16xi32> to vector<16xi32>
        tpu.vector_store %arg10[%swap3A_369], %swap3A_372 {strides = array<i32>} : memref<32xi32, #tpu.memory_space<vmem>>, vector<16xi32>,
        %get3A_373 = arith.constant 8 : index
        %get3A_374 = tpu.vector_load %arg10[%get3A_373] {strides = array<i32>} : memref<32xi32, #tpu.memory_space<vmem>>, vector<16xi32>,
        %get3A_375 = vector.shape_cast %get3A_374 : vector<16xi32> to vector<16xi32>
        %add3A_376 = arith.addi %scan3A_356, %get3A_375 : vector<16xi32>
        %swap3A_377 = arith.constant 0 : index
        %swap3A_378 = tpu.vector_load %arg10[%swap3A_377] {strides = array<i32>} : memref<32xi32, #tpu.memory_space<vmem>>, vector<16xi32>,
        %swap3A_379 = vector.shape_cast %swap3A_378 : vector<16xi32> to vector<16xi32>
        %swap3A_380 = vector.shape_cast %add3A_376 : vector<16xi32> to vector<16xi32>
        tpu.vector_store %arg10[%swap3A_377], %swap3A_380 {strides = array<i32>} : memref<32xi32, #tpu.memory_space<vmem>>, vector<16xi32>,
        %get3A_381 = arith.constant 4 : index
        %get3A_382 = tpu.vector_load %arg10[%get3A_381] {strides = array<i32>} : memref<32xi32, #tpu.memory_space<vmem>>, vector<16xi32>,
        %get3A_383 = vector.shape_cast %get3A_382 : vector<16xi32> to vector<16xi32>
        %add3A_384 = arith.addi %add3A_376, %get3A_383 : vector<16xi32>
        %swap3A_385 = arith.constant 0 : index
        %swap3A_386 = tpu.vector_load %arg10[%swap3A_385] {strides = array<i32>} : memref<32xi32, #tpu.memory_space<vmem>>, vector<16xi32>,
        %swap3A_387 = vector.shape_cast %swap3A_386 : vector<16xi32> to vector<16xi32>
        %swap3A_388 = vector.shape_cast %add3A_384 : vector<16xi32> to vector<16xi32>
        tpu.vector_store %arg10[%swap3A_385], %swap3A_388 {strides = array<i32>} : memref<32xi32, #tpu.memory_space<vmem>>, vector<16xi32>,
        %get3A_389 = arith.constant 2 : index
        %get3A_390 = tpu.vector_load %arg10[%get3A_389] {strides = array<i32>} : memref<32xi32, #tpu.memory_space<vmem>>, vector<16xi32>,
        %get3A_391 = vector.shape_cast %get3A_390 : vector<16xi32> to vector<16xi32>
        %add3A_392 = arith.addi %add3A_384, %get3A_391 : vector<16xi32>
        %swap3A_393 = arith.constant 0 : index
        %swap3A_394 = tpu.vector_load %arg10[%swap3A_393] {strides = array<i32>} : memref<32xi32, #tpu.memory_space<vmem>>, vector<16xi32>,
        %swap3A_395 = vector.shape_cast %swap3A_394 : vector<16xi32> to vector<16xi32>
        %swap3A_396 = vector.shape_cast %add3A_392 : vector<16xi32> to vector<16xi32>
        tpu.vector_store %arg10[%swap3A_393], %swap3A_396 {strides = array<i32>} : memref<32xi32, #tpu.memory_space<vmem>>, vector<16xi32>,
        %get3A_397 = arith.constant 1 : index
        %get3A_398 = tpu.vector_load %arg10[%get3A_397] {strides = array<i32>} : memref<32xi32, #tpu.memory_space<vmem>>, vector<16xi32>,
        %get3A_399 = vector.shape_cast %get3A_398 : vector<16xi32> to vector<16xi32>
        %add3A_400 = arith.addi %add3A_392, %get3A_399 : vector<16xi32>
        %add3A_401 = arith.constant 1 : i32
        %add3A_402 = vector.broadcast %add3A_401 : i32 to vector<16xi32>
        %add3A_403 = arith.addi %add3A_400, %add3A_402 : vector<16xi32>
        %swap3A_404 = arith.index_cast %select_n3A_342 : i32 to index
        %swap3A_405 = tpu.vector_load %arg11[%swap3A_404] {strides = array<i32>} : memref<128xi32, #tpu.memory_space<vmem>>, vector<16xi32>,
        %swap3A_406 = vector.shape_cast %swap3A_405 : vector<16xi32> to vector<16xi32>
        %swap3A_407 = vector.shape_cast %add3A_403 : vector<16xi32> to vector<16xi32>
        tpu.vector_store %arg11[%swap3A_404], %swap3A_407 {strides = array<i32>} : memref<128xi32, #tpu.memory_space<vmem>>, vector<16xi32>,
      } else {
      }
      %jit3A_366 = arith.constant 0 : i32
      %broadcast_in_dim3A_367 = vector.broadcast %jit3A_366 : i32 to vector<16xi32>
      %select_n3A_368 = arith.select %eq3A_362, %broadcast_in_dim3A_367, %scan3A_356 : vector<16xi32>
      scf.yield %select_n3A_368 : vector<16xi32>
    }
    %scan3A_188 = arith.constant 20 : i32
    "tpu.region"() ({
      %run_scoped3A = tpu.sem_alloc : memref<!tpu.dma_semaphore, #tpu.memory_space<semaphore_mem>>
      %dma_start3A_189 = arith.constant 0 : i32
      %dma_start3A_190 = tpu.memref_slice %arg4[%add3A, %dma_start3A_189] : memref<32x128xi32, #tpu.memory_space<hbm>> -> memref<1x128xi32, #tpu.memory_space<hbm>>
      %dma_start3A_191 = tpu.memref_squeeze %dma_start3A_190 : memref<1x128xi32, #tpu.memory_space<hbm>> -> memref<128xi32, #tpu.memory_space<hbm>>
      %dma_start3A_192 = arith.constant 0 : i32
      %dma_start3A_193 = tpu.memref_slice %arg4[%add3A, %dma_start3A_192] : memref<32x128xi32, #tpu.memory_space<hbm>> -> memref<1x128xi32, #tpu.memory_space<hbm>>
      %dma_start3A_194 = tpu.memref_squeeze %dma_start3A_193 : memref<1x128xi32, #tpu.memory_space<hbm>> -> memref<128xi32, #tpu.memory_space<hbm>>
      tpu.enqueue_dma source(%arg11 : memref<128xi32, #tpu.memory_space<vmem>>) target(%dma_start3A_194 : memref<128xi32, #tpu.memory_space<hbm>>) target_semaphore(%run_scoped3A : memref<!tpu.dma_semaphore, #tpu.memory_space<semaphore_mem>>)
      %dma_wait3A_195 = arith.constant 0 : i32
      %dma_wait3A_196 = tpu.memref_slice %arg4[%add3A, %dma_wait3A_195] : memref<32x128xi32, #tpu.memory_space<hbm>> -> memref<1x128xi32, #tpu.memory_space<hbm>>
      %dma_wait3A_197 = tpu.memref_squeeze %dma_wait3A_196 : memref<1x128xi32, #tpu.memory_space<hbm>> -> memref<128xi32, #tpu.memory_space<hbm>>
      %dma_wait3A_198 = arith.constant 0 : i32
      %dma_wait3A_199 = tpu.memref_slice %arg4[%add3A, %dma_wait3A_198] : memref<32x128xi32, #tpu.memory_space<hbm>> -> memref<1x128xi32, #tpu.memory_space<hbm>>
      %dma_wait3A_200 = tpu.memref_squeeze %dma_wait3A_199 : memref<1x128xi32, #tpu.memory_space<hbm>> -> memref<128xi32, #tpu.memory_space<hbm>>
      tpu.wait_dma2 semaphore(%run_scoped3A : memref<!tpu.dma_semaphore, #tpu.memory_space<semaphore_mem>>) src(%arg11 : memref<128xi32, #tpu.memory_space<vmem>>) dst(%dma_wait3A_200 : memref<128xi32, #tpu.memory_space<hbm>>)
      tpu.yield
    }) : () -> ()
    return
  }
}

</mosaic_0001>

<sc_bundles>
// kernel: kernel.3.cloned.1.call-start
scs
__scs_entry_jumppad:
0x0: {  	(pc) =	sbr.rel $0x88, $3  }
0x1: {  	(tag) =	ssettag $0x0;
	lr =	simm.s32 $0x1  }
0x2: {  	[smem:$0x3F9F] =	sst lr;
	_ =	strace $0xD0000000  }
0x3: {  	_ = 	snop  }
0x4: {  	_ = 	snop  }
0x5: {  	_ = 	snop  }
0x6: {  	_ = 	snop  }
0x7: {  	_ = 	snop  }
__scs_overlays_trampoline_lowered:
0x8: {  	[smem:$0x3FAE] =	sst s0  }
0x9: {  	[smem:$0x3FAF] =	sst s1  }
0xa: {  	[smem:$0x3FB0] =	sst s2  }
0xb: {  	[smem:$0x3FB1] =	sst s3  }
0xc: {  	[smem:$0x3FB2] =	sst s4  }
0xd: {  	[smem:$0x3FB3] =	sst s5  }
0xe: {  	[smem:$0x3FB4] =	sst s6  }
0xf: {  	[smem:$0x3FB5] =	sst s7  }
0x10: {  	[smem:$0x3FB6] =	sst s8  }
0x11: {  	[smem:$0x3FB7] =	sst s9;
	s0 =	simm.s32 @!p0 $0x0  }
0x12: {  	s1 =	sld [smem:$0x3F9D];
	s0 =	simm.s32 @p0 $0x1  }
0x13: {  	[smem:$0x3FB8] =	sst s0;
	s0 =	simm.s32 @!p1 $0x0  }
0x14: {  	s2 =	sld [smem:$0x3F9C];
	s0 =	simm.s32 @p1 $0x1  }
0x15: {  	[smem:$0x3FB9] =	sst s0;
	s0 =	simm.s32 @!p2 $0x0  }
0x16: {  	s3 =	sld [smem:$0x3FDB];
	s0 =	simm.s32 @p2 $0x1  }
0x17: {  	s4 =	simm.s32 $0x1BF5;
	[smem:$0x3FBB] =	sst s0  }
0x18: {  	s0 =	sld [smem:$0x3F9E];
	_ =	swait.ge [sflag:s4], $0x0  }
0x19: {  	s7 =	sld [smem:$0x3F9F]  }
0x1a: {  	s8 =	sadd.s32 $0xFFFFE003, lr  }
0x1b: {  	s9 =	sadd.s32 $0xFFFFFEF7, lr;
	s5 =	simm.s32 $0xFFFFFFFF;
	p2 =	slt.u32 s8, $0xFFFFF086  }
0x1c: {  	p1 =	slt.u32 s9, $0xF7A;
	s5 =	simm.s32 @!p2 $0x0  }
0x1d: {  	s5 =	simm.s32 @p1 $0x1;
	p0 =	seq.s32 s7, s2  }
0x1e: {  	s7 =	smul.u32 @!p0 $0xF7A, s2;
	p2 =	seq.s32 @!p0 s5, $0x0  }
0x1f: {  	s9 =	smul.u32 $0xF7A, s1;
	s8 =	simm.s32 @!p0 $0x1BF5;
	p2 =	por !p2, p0  }
0x20: {  	[sflag:s8] =	ssyncset.s32 @!p0 $0xFFFFF086;
	s6 =	sadd.s32 @!p0 s3, s7;
	s7 =	simm.s32 @!p0 $0x108  }
0x21: {  	s3 =	sadd.s32 s3, s9;
	s6 =	sadd.s32 @!p0 $0x88, s6;
	s7 =	simm.s32 @p2 $0x1082  }
0x22: {  	[simem:s7], [sflag:s8] =	dma.local @!p0 [hbm:s6], $0xF7A  }
0x23: {  	s9 =	sor.u32 $0xD0000000, s2;
	s6 =	simm.s32 $0x108;
	_ =	swait.ge @!p0 [sflag:s8], $0x0  }
0x24: {  	s3 =	sadd.s32 $0x88, s3;
	s6 =	simm.s32 @!p1 $0x1082;
	[sflag:s4] =	ssyncset.s32 $0xFFFFF086  }
0x25: {  	[simem:s6], [sflag:s4] =	dma.local [hbm:s3], $0xF7A  }
0x26: {  	[smem:$0x3F9F] =	sst s1;
	(tag) =	ssettag s2;
	_ =	strace s9  }
0x27: {  	s1 =	sld [smem:$0x3FAF]  }
0x28: {  	s2 =	sld [smem:$0x3FB0]  }
0x29: {  	s4 =	sld [smem:$0x3FB2]  }
0x2a: {  	p0 =	seq.s32 s5, $0x0;
	s5 =	sld [smem:$0x3FB3]  }
0x2b: {  	s6 =	sld [smem:$0x3FB4]  }
0x2c: {  	s7 =	sld [smem:$0x3FB5]  }
0x2d: {  	s3 =	simm.s32 $0x108;
	s8 =	sld [smem:$0x3FB6]  }
0x2e: {  	s3 =	simm.s32 @!p0 $0x1082;
	s9 =	sld [smem:$0x3FB7]  }
0x2f: {  	lr =	sadd.s32 s0, s3;
	s0 =	sld [smem:$0x3FAE]  }
0x30: {  	s3 =	sld [smem:$0x3FB1]  }
0x31: {  	[smem:$0x3FBA] =	sst s10  }
0x32: {  	s10 =	sld [smem:$0x3FB8];
	_ =	sdelay $0x3  }
0x33: {  	p0 =	seq.s32 s10, $0x1;
	s10 =	sld [smem:$0x3FBA];
	_ =	sdelay $0x3  }
0x34: {  	[smem:$0x3FBA] =	sst s10  }
0x35: {  	s10 =	sld [smem:$0x3FB9];
	_ =	sdelay $0x3  }
0x36: {  	p1 =	seq.s32 s10, $0x1;
	s10 =	sld [smem:$0x3FBA];
	_ =	sdelay $0x3  }
0x37: {  	[smem:$0x3FBA] =	sst s10  }
0x38: {  	s10 =	sld [smem:$0x3FBB]  }
0x39: {  	_ = 	snop;
	(pc) =	sbr.ind lr, $3  }
0x3a: {  	_ = 	snop  }
0x3b: {  	_ = 	snop  }
0x3c: {  	p2 =	seq.s32 s10, $0x1;
	s10 =	sld [smem:$0x3FBA]  }
0x3d: {  	_ =	shalt  }
0x3e: {  	_ =	shalt  }
0x3f: {  	_ =	shalt  }
0x40: {  	_ =	shalt  }
0x41: {  	_ =	shalt  }
0x42: {  	_ =	shalt  }
0x43: {  	_ =	shalt  }
0x44: {  	_ =	shalt  }
0x45: {  	_ =	shalt  }
0x46: {  	_ =	shalt  }
0x47: {  	_ =	shalt  }
0x48: {  	_ =	shalt  }
0x49: {  	_ =	shalt  }
0x4a: {  	_ =	shalt  }
0x4b: {  	_ =	shalt  }
0x4c: {  	_ =	shalt  }
0x4d: {  	_ =	shalt  }
0x4e: {  	_ =	shalt  }
0x4f: {  	_ =	shalt  }
0x50: {  	_ =	shalt  }
0x51: {  	_ =	shalt  }
0x52: {  	_ =	shalt  }
0x53: {  	_ =	shalt  }
0x54: {  	_ =	shalt  }
0x55: {  	_ =	shalt  }
0x56: {  	_ =	shalt  }
0x57: {  	_ =	shalt  }
0x58: {  	_ =	shalt  }
0x59: {  	_ =	shalt  }
0x5a: {  	_ =	shalt  }
0x5b: {  	_ =	shalt  }
0x5c: {  	_ =	shalt  }
0x5d: {  	_ =	shalt  }
0x5e: {  	_ =	shalt  }
0x5f: {  	_ =	shalt  }
0x60: {  	_ =	shalt  }
0x61: {  	_ =	shalt  }
0x62: {  	_ =	shalt  }
0x63: {  	_ =	shalt  }
0x64: {  	_ =	shalt  }
0x65: {  	_ =	shalt  }
0x66: {  	_ =	shalt  }
0x67: {  	_ =	shalt  }
0x68: {  	_ =	shalt  }
0x69: {  	_ =	shalt  }
0x6a: {  	_ =	shalt  }
0x6b: {  	_ =	shalt  }
0x6c: {  	_ =	shalt  }
0x6d: {  	_ =	shalt  }
0x6e: {  	_ =	shalt  }
0x6f: {  	_ =	shalt  }
0x70: {  	_ =	shalt  }
0x71: {  	_ =	shalt  }
0x72: {  	_ =	shalt  }
0x73: {  	_ =	shalt  }
0x74: {  	_ =	shalt  }
0x75: {  	_ =	shalt  }
0x76: {  	_ =	shalt  }
0x77: {  	_ =	shalt  }
0x78: {  	_ =	shalt  }
0x79: {  	_ =	shalt  }
0x7a: {  	_ =	shalt  }
0x7b: {  	_ =	shalt  }
0x7c: {  	_ =	shalt  }
0x7d: {  	_ =	shalt  }
0x7e: {  	_ =	shalt  }
0x7f: {  	_ =	shalt  }
0x80: {  	_ =	shalt  }
0x81: {  	_ =	shalt  }
0x82: {  	_ =	shalt  }
0x83: {  	_ =	shalt  }
0x84: {  	_ =	shalt  }
0x85: {  	_ =	shalt  }
0x86: {  	_ =	shalt  }
0x87: {  	_ =	shalt  }
.Lfunc_end0:
.L_simem_size_0:
called_computation_lowered:
.L_overlay_start_0:
0x88: {  	s2 =	sld [smem:$0x3FD9]  }
0x89: {  	s3 =	sld [smem:$0x3FFE];
	_ =	sdelay $0x1  }
0x8a: {  	s1 =	srdreg.scid  }
0x8b: {  	s0 =	sand.u32 $0x1, s1  }
0x8c: {  	s17 =	sshll.u32 s0, $0xA;
	s2 =	sadd.s32 s3, s2  }
0x8d: {  	s2 =	sadd.s32 s2, s17  }
0x8e: {  	[smem:$0x3FC6] =	sst s2  }
0x8f: {  	_ = 	snop  }
0x90: {  	s2 =	sld [smem:$0x3FC8];
	(tm) =	ssettm $0x1  }
0x91: {  	s18 =	sld [smem:$0x3FFB];
	_ =	sdelay $0x3  }
0x92: {  	_ =	strace s18  }
0x93: {  	s3 =	sld [smem:$0x3FFC];
	_ =	sdelay $0x3  }
0x94: {  	_ =	strace s3  }
0x95: {  	s3 =	sld [smem:$0x3FFD];
	_ =	sdelay $0x3  }
0x96: {  	_ =	strace s3  }
0x97: {  	_ =	strace $0x8FFFFFFF  }
0x98: {  	s19 =	sld [smem:$0x3FDB];
	_ =	sdelay $0x1  }
0x99: {  	s4 =	simm.s32 $_scs_section_size  }
0x9a: {  	s5 =	simm.s32 $_size__tile_overlayer_lowered;
	s6 =	simm.s32 $_tile_overlayer_lowered  }
0x9b: {  	s22 =	simm.s32 $0x1BFF;
	s21 =	sshll.u32 s6, $0x1;
	s3 =	sadd.s32 s4, s19  }
0x9c: {  	s7 =	simm.s32 $0x0;
	s20 =	sshll.u32 s5, $0x1;
	s5 =	sadd.s32 s21, s3  }
0x9d: {  	[timem:s7], [sflag:s22] =	dma.local [hbm:s5], s20  }
0x9e: {  	_ =	swait.ge [sflag:s22], s20  }
0x9f: {  	s4 =	ssub.s32 $0x0, s20;
	[sflag:s22] =	ssyncset.done $0x0  }
0xa0: {  	[sflag:s22] =	ssyncadd.s32 s4;
	_ =	sdelay $0x1  }
0xa1: {  	s23 =	simm.s32 $0x1B8B  }
0xa2: {  	_ =	swait.ge [sflag:s23], $0x1  }
0xa3: {  	[sflag:s23] =	ssyncset.done $0x0  }
0xa4: {  	s25 =	simm.s32 $0x1B8E;
	s24 =	sld [smem:$0x3FFE];
	[sflag:s23] =	ssyncadd.s32 $0xFFFFFFFF  }
0xa5: {  	s26 =	simm.s32 $execute0_lowered;
	[smem:$0x3FD2] =	sst s25  }
0xa6: {  	s5 =	sshll.u32 s26, $0x1;
	_ =	strace $0x80000046;
	[dreg:$0x1] =	wrdreg $0xFFFFFFFF  }
0xa7: {  	s28 =	simm.s32 $_size_execute0_lowered;
	s3 =	sadd.s32 s3, s5;
	[dreg:$0x0] =	wrdreg $0x0  }
0xa8: {  	s5 =	sshll.u32 s28, $0x1;
	[dreg:$0x2] =	wrdreg s3  }
0xa9: {  	[dreg:$0x3] =	wrdreg s5  }
0xaa: {  	[dreg:$0x4] =	wrdreg $0xC0  }
0xab: {  	_ =	task [dreg:s7], $0x5FFFF  }
0xac: {  	[dreg:$0x1] =	wrdreg $0xFFFFFFFF  }
0xad: {  	[dreg:$0x0] =	wrdreg $0x60  }
0xae: {  	[dreg:$0x2] =	wrdreg s24  }
0xaf: {  	[dreg:$0x3] =	wrdreg s2  }
0xb0: {  	[dreg:$0x4] =	wrdreg $0x9  }
0xb1: {  	_ =	task.clear_ibuf [dreg:s7], $0x5FFFF;
	_ =	strace $0x90000046  }
0xb2: {  	s29 =	simm.s32 $0x9;
	_ =	strace $0x80000048  }
0xb3: {  	_ =	swait.ge [sflag:s29], $0x1  }
0xb4: {  	[sflag:s29] =	ssyncadd.s32 $0xFFFFFFFF  }
0xb5: {  	_ =	strace $0x90000048  }
0xb6: {  	_ =	sfence  }
0xb7: {  	s30 =	sld [smem:$0x0];
	_ =	sdelay $0x2  }
0xb8: {  	s31 =	sshll.u32 s1, $0xD;
	s1 =	sshrl.u32 s1, $0x2  }
0xb9: {  	s3 =	sand.u32 $0x4000, s31;
	s1 =	sadd.s32 s1, s30  }
0xba: {  	s0 =	sor.u32 s3, s0;
	s1 =	sshll.u32 s1, $0x11  }
0xbb: {  	s0 =	sor.u32 s1, s0  }
0xbc: {  	s0 =	sadd.s32 $0x8F2B, s0  }
0xbd: {  	[sflag:s0] =	ssyncadd.remote.s32 $0x1  }
0xbe: {  	_ =	sfence.sel $0xFFFF  }
0xbf: {  	[dreg:$0x0] =	wrdreg $0xFFFFFFFF;
	(pc) =	sbr.abs _section_cstart, $3  }
0xc0: {  	[dreg:$0x1] =	wrdreg $0xFFFFFFFF  }
0xc1: {  	_ =	task.clear_ibuf [dreg:s7], $0x2FFFF;
	_ =	strace $0x9FFFFFFF  }
0xc2: {  	(tm) =	ssettm $0x7FFFFFFF  }
0xc3: {  	_ =	shalt  }
tec
execute0_lowered:
.L_overlay_start_1:
0x0: {  	(tag) =	ssettag $0x1  }
0x1: {  	s6 =	rddreg [dreg:$0x0]  }
0x2: {  	s2 =	rddreg [dreg:$0x1]  }
0x3: {  	s0 =	rddreg [dreg:$0x2];
	s3 =	simm.s32 $0x0;
	s4 =	srdreg.scid  }
0x4: {  	s1 =	stileid.u32;
	s11 =	simm.s32 $0x80;
	s14 =	simm.s32 $0x180  }
0x5: {  	s20 =	simm.s32 $0x0;
	s5 =	sand.u32 $0x1, s4;
	s30 =	sshll.u32 s1, $0x1  }
0x6: {  	[smem:$0x7FF] =	sst s3;
	s4 =	sadd.s32 $0x187400, s6;
	s7 =	sor.u32 s5, s30  }
0x7: {  	_ =	strace $0x80000047;
	s9 =	ssub.s32 $0x2, s5;
	s8 =	sshll.u32 s7, $0x4  }
0x8: {  	s10 =	sshrl.u32 s9, $0x1;
	s5 =	sshll.u32 s7, $0x2;
	s12 =	smul.u32 $0x61A80, s7  }
0x9: {  	s18 =	sshllo.u32 s7, $0x2;
	s8 =	sadd.s32 s8, s6;
	s9 =	ssub.s32 s9, s10  }
0xa: {  	s13 =	sor.u32 $0x1, s5;
	s16 =	sor.u32 $0x2, s5;
	s19 =	smul.u32 $0x186A0, s18  }
0xb: {  	s10 =	simm.s32 $0x10;
	v6 =	vmov s18;
	s18 =	simm.s32 $0x5100;
	s15 =	smul.u32 $0x186A0, s13  }
0xc: {  	s31 =	sshrl.u32 s12, $0x3;
	s17 =	smul.u32 $0x186A0, s16;
	s8 =	sadd.s32 $0x400, s8  }
0xd: {  	s9 =	smax.u32 s9, $0x1;
	v1 =	vmov s12;
	v2 =	vmov s13;
	s12 =	simm.s32 $0x3;
	s13 =	simm.s32 $0x100  }
0xe: {  	v8 =	vimm.s32 $0x0;
	v4 =	vmov s16;
	s16 =	simm.s32 $0x1;
	s6 =	sadd.s32 s4, s31;
	v7 =	vmov s19;
	s19 =	simm.s32 $0x4  }
0xf: {  	v0 =	vmov s5;
	s7 =	sadd.s32 $0x4E2, s6;
	v3 =	vmov s15;
	v5 =	vmov s17;
	s15 =	simm.s32 $0x2900;
	s17 =	simm.s32 $0x2  }
.LBB2_1:
0x10: {  	[tilespmem:$0x0] =	vst v0  }
0x11: {  	[tilespmem:s11], [sflag:$0x3] =	stream.indirect.gather [hbm4b:s2+s10], $0x1, s3, s10, $0xb8;
	[tilespmem:$0x5180] =	vst v63  }
0x12: {  	_ =	swait.ge [sflag:s12], $0x10  }
0x13: {  	[sflag:s12] =	ssyncset.done $0x0  }
0x14: {  	[sflag:s12] =	ssyncadd.s32 $0xFFFFFFF0  }
0x15: {  	v9 =	vld [tilespmem:$0x80];
	_ =	sdelay $0x4  }
0x16: {  	v9 =	vadd.s32 v1, v9  }
0x17: {  	[tilespmem:$0x0] =	vst v9  }
0x18: {  	[tilespmem:s13], [sflag:$0x3] =	stream.indirect.gather [hbm4b:s4+s10], $0x1, s3, s10, $0xb8;
	[tilespmem:$0x5180] =	vst v63  }
0x19: {  	_ =	swait.ge [sflag:s12], $0x10  }
0x1a: {  	[sflag:s12] =	ssyncset.done $0x0  }
0x1b: {  	[sflag:s12] =	ssyncadd.s32 $0xFFFFFFF0  }
0x1c: {  	[tilespmem:$0x0] =	vst v2  }
0x1d: {  	v9 =	vld [tilespmem:$0x100];
	[tilespmem:s11], [sflag:$0x3] =	stream.indirect.gather [hbm4b:s2+s10], $0x1, s3, s10, $0xb8  }
0x1e: {  	_ =	swait.ge [sflag:s12], $0x10  }
0x1f: {  	[sflag:s12] =	ssyncset.done $0x0  }
0x20: {  	[sflag:s12] =	ssyncadd.s32 $0xFFFFFFF0  }
0x21: {  	v10 =	vld [tilespmem:$0x80];
	_ =	sdelay $0x4  }
0x22: {  	v10 =	vadd.s32 v3, v10  }
0x23: {  	[tilespmem:$0x0] =	vst v10  }
0x24: {  	[tilespmem:s13], [sflag:$0x3] =	stream.indirect.gather [hbm4b:s4+s10], $0x1, s3, s10, $0xb8;
	[tilespmem:$0x5180] =	vst v63  }
0x25: {  	_ =	swait.ge [sflag:s12], $0x10  }
0x26: {  	[sflag:s12] =	ssyncset.done $0x0  }
0x27: {  	[sflag:s12] =	ssyncadd.s32 $0xFFFFFFF0  }
0x28: {  	[tilespmem:$0x0] =	vst v4  }
0x29: {  	v10 =	vld [tilespmem:$0x100];
	[tilespmem:s11], [sflag:$0x3] =	stream.indirect.gather [hbm4b:s2+s10], $0x1, s3, s10, $0xb8  }
0x2a: {  	_ =	swait.ge [sflag:s12], $0x10  }
0x2b: {  	[sflag:s12] =	ssyncset.done $0x0  }
0x2c: {  	[sflag:s12] =	ssyncadd.s32 $0xFFFFFFF0  }
0x2d: {  	v11 =	vld [tilespmem:$0x80];
	_ =	sdelay $0x4  }
0x2e: {  	v11 =	vadd.s32 v5, v11  }
0x2f: {  	[tilespmem:$0x0] =	vst v11  }
0x30: {  	[tilespmem:s13], [sflag:$0x3] =	stream.indirect.gather [hbm4b:s4+s10], $0x1, s3, s10, $0xb8;
	[tilespmem:$0x5180] =	vst v63  }
0x31: {  	_ =	swait.ge [sflag:s12], $0x10  }
0x32: {  	[sflag:s12] =	ssyncset.done $0x0  }
0x33: {  	[sflag:s12] =	ssyncadd.s32 $0xFFFFFFF0  }
0x34: {  	[tilespmem:$0x0] =	vst v6  }
0x35: {  	v11 =	vld [tilespmem:$0x100];
	[tilespmem:s11], [sflag:$0x3] =	stream.indirect.gather [hbm4b:s2+s10], $0x1, s3, s10, $0xb8  }
0x36: {  	_ =	swait.ge [sflag:s12], $0x10  }
0x37: {  	[sflag:s12] =	ssyncset.done $0x0  }
0x38: {  	[sflag:s12] =	ssyncadd.s32 $0xFFFFFFF0  }
0x39: {  	v12 =	vld [tilespmem:$0x80];
	_ =	sdelay $0x4  }
0x3a: {  	v12 =	vadd.s32 v7, v12  }
0x3b: {  	[tilespmem:$0x0] =	vst v12  }
0x3c: {  	[tilespmem:s13], [sflag:$0x3] =	stream.indirect.gather [hbm4b:s4+s10], $0x1, s3, s10, $0xb8;
	[tilespmem:$0x5180] =	vst v63  }
0x3d: {  	_ =	swait.ge [sflag:s12], $0x10  }
0x3e: {  	[sflag:s12] =	ssyncset.done $0x0  }
0x3f: {  	[sflag:s12] =	ssyncadd.s32 $0xFFFFFFF0  }
0x40: {  	v12 =	vld [tilespmem:$0x100];
	[tilespmem:s14], [sflag:$0x1] =	stream.linear.gather [hbm4b:s6+s3], $0x2710, $0x38  }
0x41: {  	_ = 	snop  }
0x42: {  	[tilespmem:s15], [sflag:$0x2] =	stream.linear.gather [hbm4b:s7+s3], $0x2710, $0x38;
	[tilespmem:$0x5180] =	vst v63  }
0x43: {  	[tilespmem:$0x5080] =	vst v8  }
0x44: {  	[tilespmem:$0x5090] =	vst v8  }
0x45: {  	[tilespmem:$0x5100] =	vst v8  }
0x46: {  	[tilespmem:$0x5110] =	vst v8  }
0x47: {  	[tilespmem:$0x5120] =	vst v8  }
0x48: {  	[tilespmem:$0x5130] =	vst v8  }
0x49: {  	[tilespmem:$0x5140] =	vst v8  }
0x4a: {  	[tilespmem:$0x5150] =	vst v8  }
0x4b: {  	[tilespmem:$0x5160] =	vst v8  }
0x4c: {  	v15 =	vimm.s32 $0x0;
	s21 =	simm.s32 $0x0;
	[tilespmem:$0x5170] =	vst v8  }
.LBB2_2:
0x4d: {  	s22 =	sshll.u32 s21, $0x1;
	p0 =	seq.s32 s21, $0x13  }
0x4e: {  	s23 =	sadd.s32 @!p0 $0x2, s22  }
0x4f: {  	s24 =	smul.u32 @!p0 $0xCD, s23;
	_ =	sdelay $0x1  }
0x50: {  	s24 =	sshrl.u32 @!p0 s24, $0xB  }
0x51: {  	s24 =	sand.u32 @!p0 $0x1F, s24  }
0x52: {  	s25 =	smul.u32 @!p0 $0xFFFFFFF6, s24  }
0x53: {  	s24 =	sadd.s32 @!p0 s24, s5  }
0x54: {  	s24 =	smul.u32 @!p0 $0x186A0, s24;
	s23 =	sadd.s32 @!p0 s23, s25  }
0x55: {  	s23 =	smul.u32 @!p0 $0x2710, s23  }
0x56: {  	_ =	swait.ge [sflag:s16], $0x2710  }
0x57: {  	[sflag:s16] =	ssyncset.done $0x0;
	s23 =	sadd.s32 @!p0 s24, s23  }
0x58: {  	s28 =	simm.s32 $0x0;
	[sflag:s16] =	ssyncadd.s32 $0xFFFFD8F0;
	s23 =	sshrl.u32 @!p0 s23, $0x3  }
0x59: {  	s25 =	simm.s32 @!p0 $0x180;
	s24 =	simm.s32 @!p0 $0x0;
	s23 =	sadd.s32 @!p0 s4, s23  }
0x5a: {  	[tilespmem:s25], [sflag:$0x1] =	stream.linear.gather @!p0 [hbm4b:s23+s24], $0x2710, $0x38;
	[tilespmem:$0x5180] =	vst v63  }
0x5b: {  	s29 =	sadd.s32 $0xFFFFFFF6, s21;
	v14 =	vld [tilespmem:s28+$0x180]  }
0x5c: {  	s30 =	sadd.s32 $0xFFFFFFFB, s21;
	p1 =	slt.u32 s29, $0x5;
	v16 =	vld [tilespmem:s28+$0x190]  }
0x5d: {  	p2 =	slt.u32 s30, $0x5;
	v13 =	vpsel p1, v11, v12;
	v17 =	vld [tilespmem:s28+$0x1A0]  }
0x5e: {  	p6 =	slt.u32 s21, $0x5;
	v13 =	vpsel p2, v10, v13;
	v19 =	vld [tilespmem:s28+$0x1B0]  }
0x5f: {  	v13 =	vpsel p6, v9, v13;
	v20 =	vld [tilespmem:s28+$0x1C0]  }
0x60: {  	s31 =	simm.s32 $0x50;
	vm0 =	vgt.f32 v14, v13  }
0x61: {  	v18 =	vld [tilespmem:s31+$0x180];
	vm12 =	vgt.f32 v16, v13;
	v21 =	vsel vm0, $0x1, v8  }
0x62: {  	v14 =	vld [tilespmem:s31+$0x190];
	vm13 =	vgt.f32 v17, v13;
	v16 =	vadd.s32 v21, v15;
	v21 =	vsel vm12, $0x1, v8  }
0x63: {  	vm14 =	vgt.f32 v19, v13;
	v15 =	vld [tilespmem:s31+$0x1A0];
	v17 =	vadd.s32 v21, v16;
	v21 =	vsel vm13, $0x1, v8  }
0x64: {  	vm15 =	vgt.f32 v20, v13;
	v16 =	vld [tilespmem:s31+$0x1B0];
	v19 =	vadd.s32 v21, v17;
	v21 =	vsel vm14, $0x1, v8  }
0x65: {  	s23 =	simm.s32 $0x280;
	v20 =	vsel vm15, $0x1, v8;
	v17 =	vld [tilespmem:s31+$0x1C0];
	v19 =	vadd.s32 v21, v19  }
.LBB2_3:
0x66: {  	s24 =	sshra.s32 s23, $0x2;
	p1 =	sne.s32 s23, $0x9B00;
	s23 =	sadd.s32 $0x140, s23;
	vm0 =	vgt.f32 v18, v13;
	v19 =	vadd.s32 v20, v19  }
.Ltmp0:
0x67: {  	v18 =	vld [tilespmem:s24+$0x180];
	v20 =	vsel vm0, $0x1, v8;
	vm0 =	vgt.f32 v14, v13;
	(pc) =	sbr.rel @p1 .LBB2_3-.Ltmp0, $4  }
0x68: {  	v14 =	vld [tilespmem:s24+$0x190];
	v19 =	vadd.s32 v20, v19;
	v20 =	vsel vm0, $0x1, v8;
	vm0 =	vgt.f32 v15, v13  }
0x69: {  	v15 =	vld [tilespmem:s24+$0x1A0];
	v19 =	vadd.s32 v20, v19;
	v20 =	vsel vm0, $0x1, v8;
	vm0 =	vgt.f32 v16, v13  }
0x6a: {  	v16 =	vld [tilespmem:s24+$0x1B0];
	v19 =	vadd.s32 v20, v19;
	v20 =	vsel vm0, $0x1, v8;
	vm0 =	vgt.f32 v17, v13  }
0x6b: {  	v17 =	vld [tilespmem:s24+$0x1C0];
	v19 =	vadd.s32 v20, v19;
	v20 =	vsel vm0, $0x1, v8  }
0x6c: {  	s23 =	sadd.s32 @!p0 $0x3, s22  }
0x6d: {  	s24 =	smulhi.u32 @!p0 $0x66666667, s23;
	_ =	sdelay $0x1  }
0x6e: {  	s24 =	sshrl.u32 @!p0 s24, $0x2  }
0x6f: {  	s25 =	smul.u32 @!p0 $0xFFFFFFF6, s24  }
0x70: {  	s24 =	sadd.s32 @!p0 s5, s24  }
0x71: {  	s24 =	smul.u32 @!p0 $0x186A0, s24;
	s23 =	sadd.s32 @!p0 s23, s25  }
0x72: {  	s23 =	smul.u32 @!p0 $0x2710, s23  }
0x73: {  	_ =	swait.ge [sflag:s17], $0x2710  }
0x74: {  	[sflag:s17] =	ssyncset.done $0x0;
	s23 =	sadd.s32 @!p0 s24, s23  }
0x75: {  	s28 =	simm.s32 $0x0;
	[sflag:s17] =	ssyncadd.s32 $0xFFFFD8F0;
	s23 =	sshrl.u32 @!p0 s23, $0x3  }
0x76: {  	s25 =	simm.s32 @!p0 $0x2900;
	s24 =	simm.s32 @!p0 $0x0;
	s23 =	sadd.s32 @!p0 s4, s23  }
0x77: {  	[tilespmem:s25], [sflag:$0x2] =	stream.linear.gather @!p0 [hbm4b:s23+s24], $0x2710, $0x38;
	[tilespmem:$0x5180] =	vst v63  }
0x78: {  	vm0 =	vgt.f32 v18, v13;
	v18 =	vld [tilespmem:s28+$0x2900]  }
0x79: {  	v19 =	vadd.s32 v20, v19;
	v20 =	vsel vm0, $0x1, v8;
	vm7 =	vgt.f32 v14, v13;
	v21 =	vld [tilespmem:s28+$0x2910]  }
0x7a: {  	v14 =	vadd.s32 v20, v19;
	v19 =	vsel vm7, $0x1, v8;
	vm8 =	vgt.f32 v15, v13;
	v20 =	vld [tilespmem:s28+$0x2920]  }
0x7b: {  	v14 =	vadd.s32 v19, v14;
	v15 =	vsel vm8, $0x1, v8;
	vm9 =	vgt.f32 v16, v13;
	v19 =	vld [tilespmem:s28+$0x2930]  }
0x7c: {  	s29 =	smulhi.u32 $0xCCCCCCCD, s21;
	v14 =	vadd.s32 v15, v14;
	v15 =	vsel vm9, $0x1, v8;
	vm10 =	vgt.f32 v17, v13;
	v22 =	vld [tilespmem:s28+$0x2940]  }
0x7d: {  	s30 =	simm.s32 $0x50;
	v14 =	vadd.s32 v15, v14;
	v15 =	vsel vm10, $0x1, v8;
	vm11 =	vgt.f32 v18, v13  }
0x7e: {  	v16 =	vadd.s32 v15, v14;
	s23 =	sshrl.u32 s29, $0x2;
	v14 =	vld [tilespmem:s30+$0x2900];
	vm12 =	vgt.f32 v21, v13;
	v17 =	vsel vm11, $0x1, v8  }
0x7f: {  	s24 =	smul.u32 $0xFFFFFFF6, s23;
	v15 =	vld [tilespmem:s30+$0x2910];
	vm13 =	vgt.f32 v20, v13;
	v18 =	vsel vm12, $0x1, v8;
	v17 =	vadd.s32 v17, v16  }
0x80: {  	vm14 =	vgt.f32 v19, v13;
	v20 =	vsel vm13, $0x1, v8;
	v16 =	vld [tilespmem:s30+$0x2920];
	v18 =	vadd.s32 v18, v17  }
0x81: {  	s31 =	sadd.s32 s22, s24;
	vm15 =	vgt.f32 v22, v13;
	v17 =	vld [tilespmem:s30+$0x2930];
	v19 =	vadd.s32 v20, v18;
	v20 =	vsel vm14, $0x1, v8  }
0x82: {  	s24 =	simm.s32 $0x280;
	s22 =	sadd.s32 $0x1, s31;
	v18 =	vld [tilespmem:s30+$0x2940];
	v19 =	vadd.s32 v20, v19;
	v20 =	vsel vm15, $0x1, v8  }
.LBB2_5:
0x83: {  	s25 =	sshra.s32 s24, $0x2;
	p0 =	sne.s32 s24, $0x9B00;
	s24 =	sadd.s32 $0x140, s24;
	vm0 =	vgt.f32 v14, v13;
	v19 =	vadd.s32 v20, v19  }
.Ltmp1:
0x84: {  	v14 =	vld [tilespmem:s25+$0x2900];
	v20 =	vsel vm0, $0x1, v8;
	vm0 =	vgt.f32 v15, v13;
	(pc) =	sbr.rel @p0 .LBB2_5-.Ltmp1, $4  }
0x85: {  	v15 =	vld [tilespmem:s25+$0x2910];
	v19 =	vadd.s32 v20, v19;
	v20 =	vsel vm0, $0x1, v8;
	vm0 =	vgt.f32 v16, v13  }
0x86: {  	v16 =	vld [tilespmem:s25+$0x2920];
	v19 =	vadd.s32 v20, v19;
	v20 =	vsel vm0, $0x1, v8;
	vm0 =	vgt.f32 v17, v13  }
0x87: {  	v17 =	vld [tilespmem:s25+$0x2930];
	v19 =	vadd.s32 v20, v19;
	v20 =	vsel vm0, $0x1, v8;
	vm0 =	vgt.f32 v18, v13  }
0x88: {  	v18 =	vld [tilespmem:s25+$0x2940];
	v19 =	vadd.s32 v20, v19;
	v20 =	vsel vm0, $0x1, v8  }
0x89: {  	vm0 =	vgt.f32 v14, v13  }
0x8a: {  	v14 =	vadd.s32 v20, v19;
	v63 =	vsel vm0, $0x1, v8;
	vm12 =	vgt.f32 v15, v13  }
0x8b: {  	v14 =	vadd.s32 v63, v14;
	v15 =	vsel vm12, $0x1, v8;
	vm13 =	vgt.f32 v16, v13  }
0x8c: {  	v14 =	vadd.s32 v15, v14;
	v15 =	vsel vm13, $0x1, v8;
	vm14 =	vgt.f32 v17, v13  }
0x8d: {  	v14 =	vadd.s32 v15, v14;
	v15 =	vsel vm14, $0x1, v8;
	vm15 =	vgt.f32 v18, v13  }
0x8e: {  	v13 =	vadd.s32 v15, v14;
	v14 =	vsel vm15, $0x1, v8  }
0x8f: {  	p0 =	sne.s32 s22, $0x9;
	v13 =	vadd.s32 v14, v13  }
0x90: {  	[tilespmem:$0x5080] =	vst @!p0 v13  }
0x91: {  	v14 =	vld @!p0 [tilespmem:$0x5088];
	_ =	sdelay $0x4  }
0x92: {  	v14 =	vadd.s32 @!p0 v13, v14  }
0x93: {  	[tilespmem:$0x5080] =	vst @!p0 v14  }
0x94: {  	v15 =	vld @!p0 [tilespmem:$0x5084];
	_ =	sdelay $0x4  }
0x95: {  	v14 =	vadd.s32 @!p0 v14, v15  }
0x96: {  	[tilespmem:$0x5080] =	vst @!p0 v14  }
0x97: {  	v15 =	vld @!p0 [tilespmem:$0x5082];
	_ =	sdelay $0x4  }
0x98: {  	v14 =	vadd.s32 @!p0 v14, v15  }
0x99: {  	[tilespmem:$0x5080] =	vst @!p0 v14  }
0x9a: {  	v15 =	vld @!p0 [tilespmem:$0x5081]  }
0x9b: {  	s21 =	sadd.s32 $0x1, s21  }
0x9c: {  	p1 =	sne.s32 s21, $0x14  }
.Ltmp2:
0x9d: {  	_ = 	snop;
	(pc) =	sbr.rel @p1 .LBB2_2-.Ltmp2, $4  }
0x9e: {  	_ = 	snop  }
0x9f: {  	v14 =	vadd.s32 @!p0 v15, v14  }
0xa0: {  	v14 =	vadd.s32 @!p0 $0x1, v14  }
0xa1: {  	v15 =	vpsel !p0, $0x0, v13;
	[tilespmem:s23+$0x5100] =	vst @!p0 v14  }
0xa2: {  	s20 =	sadd.s32 $0x1, s20  }
0xa3: {  	p0 =	sne.s32 s20, s9  }
.Ltmp3:
0xa4: {  	_ = 	snop;
	(pc) =	sbr.rel @p0 .LBB2_1-.Ltmp3, $4  }
0xa5: {  	[hbm4b:s8+s3] =	stream.linear.scatter [tilespmem:s18], [sflag:$0x4], $0x80, $0x38;
	[tilespmem:$0x5180] =	vst v63  }
0xa6: {  	_ =	swait.ge [sflag:s19], $0x80  }
0xa7: {  	[sflag:s19] =	ssyncset.done $0x0  }
0xa8: {  	[sflag:s19] =	ssyncadd.s32 $0xFFFFFF80  }
0xa9: {  	_ =	sfence.sel $0x180000  }
0xaa: {  	[bflag:$0x0] =	sbarrier.arrive $0xFFFF  }
0xab: {  	p0 =	sne.s32 s1, $0x0;
	_ =	strace $0x90000047  }
0xac: {  	s0 =	sadd.s32 @!p0 $0x100000, s0;
	[bflag:$0x2] =	sbarrier.arrive $0xFFFF  }
0xad: {  	[sflag:s0] =	ssyncadd.tile.s32 @!p0 $0x1;
	_ =	shalt  }
.Lfunc_end2:
_tile_overlayer_lowered:
.L_overlay_start_2:
0xae: {  	(tag) =	ssettag $0x2  }
0xaf: {  	s0 =	rddreg [dreg:$0x0];
	s2 =	stileid.u32  }
0xb0: {  	s1 =	rddreg [dreg:$0x1];
	p0 =	sne.s32 s2, $0x0  }
0xb1: {  	s3 =	rddreg [dreg:$0x2];
	[bflag:$0x3] =	sbarrier.arrive $0xFFFF;
	s2 =	simm.s32 @!p0 $0x1C04  }
0xb2: {  	[timem:s3], [sflag:s2] =	dma.local @!p0 [hbm:s0], s1  }
0xb3: {  	s0 =	simm.s32 @!p0 $0x4  }
0xb4: {  	_ =	swait.ge @!p0 [sflag:s0], s1  }
0xb5: {  	s1 =	ssub.s32 @!p0 $0x0, s1;
	[sflag:s0] =	ssyncset.done @!p0 $0x0  }
0xb6: {  	[sflag:s0] =	ssyncadd.s32 @!p0 s1  }
0xb7: {  	[bflag:$0x3] =	sbarrier.arrive $0xFFFF  }
0xb8: {  	_ =	shalt  }

</sc_bundles>
